<compile_context>
chip_gen: v7x
topology: tpu7x:2x2x1
jax: 0.10.2.dev20260603
libtpu: 0.0.44.dev20260713+nightly
codegen_flags: <defaults>
</compile_context>

<pallas_src>
import functools

import jax
import jax.numpy as jnp
from jax import lax
from jax.experimental import pallas as pl
from jax.experimental.pallas import tpu as pltpu
from jax.experimental.pallas import tpu_sc as plsc

BATCH = 16384
VEC = 64
NOUT = 30
NQ = 32
HB = 262144
HP = 32768

_NC = 2
_NS = 16
_NW = _NC * _NS
_BPW = BATCH // _NW
_CH = 128


def _quad_body(x0_ref, x1_ref, x2_ref, x3_ref, wt_ref, out_ref):
    dn = (((1,), (0,)), ((), ()))
    wt = wt_ref[...]
    ys = []
    for x_ref in (x0_ref, x1_ref, x2_ref, x3_ref):
        s = jax.nn.sigmoid(x_ref[...])
        ys.append(lax.dot_general(wt, s, dn, preferred_element_type=jnp.float32))
    out_ref[...] = jnp.concatenate(ys, axis=0).T


def _tc_quad(tab_t, half, w_t):
    blk = 2048
    grid = (half // blk,)
    off = half // blk
    last = (tab_t.shape[1] + blk - 1) // blk - 1
    mk = lambda q: (lambda i: (0, jnp.minimum(i + q * off, last)))
    return pl.pallas_call(
        _quad_body,
        grid=grid,
        in_specs=[
            pl.BlockSpec((VEC, blk), mk(0)),
            pl.BlockSpec((VEC, blk), mk(1)),
            pl.BlockSpec((VEC, blk), mk(2)),
            pl.BlockSpec((VEC, blk), mk(3)),
            pl.BlockSpec((NQ, VEC), lambda i: (0, 0)),
        ],
        out_specs=pl.BlockSpec((blk, 4 * NQ), lambda i: (i, 0)),
        out_shape=jax.ShapeDtypeStruct((half, 4 * NQ), jnp.float32),
        compiler_params=pltpu.CompilerParams(fuse_transposed_lhs_in_matmul=True),
    )(tab_t, tab_t, tab_t, tab_t, w_t)


def _sc_gather(idx, quad, hmask):
    mesh = plsc.VectorSubcoreMesh(core_axis_name="c", subcore_axis_name="s")

    @functools.partial(
        pl.kernel,
        mesh=mesh,
        out_type=jax.ShapeDtypeStruct((BATCH, 4 * NQ), jnp.float32),
        scratch_types=[
            pltpu.VMEM((_BPW,), jnp.int32),
            pltpu.VMEM((_BPW, 4 * NQ), jnp.float32),
            pltpu.SemaphoreType.DMA,
        ],
    )
    def k(idx_hbm, tab_hbm, out_hbm, idx_v, rows_v, sem):
        wid = lax.axis_index("s") * _NC + lax.axis_index("c")
        base = wid * _BPW
        pltpu.sync_copy(idx_hbm.at[pl.ds(base, _BPW)], idx_v)
        for g in range(_BPW // 16):
            sl = pl.ds(g * 16, 16)
            idx_v[sl] = lax.bitwise_and(idx_v[sl], hmask)
        copies = []
        for c in range(_BPW // _CH):
            sl = pl.ds(c * _CH, _CH)
            copies.append(
                pltpu.async_copy(tab_hbm.at[idx_v.at[sl]], rows_v.at[sl], sem))
        for cp in copies:
            cp.wait()
        pltpu.sync_copy(rows_v, out_hbm.at[pl.ds(base, _BPW)])

    return k(idx, quad)


def _sel_quarter(x, q_ref):
    q = q_ref[...]
    lo = jnp.where(q < 1.5,
                   jnp.where(q < 0.5, x[:, 0 * NQ:1 * NQ], x[:, 1 * NQ:2 * NQ]),
                   jnp.where(q < 2.5, x[:, 2 * NQ:3 * NQ], x[:, 3 * NQ:4 * NQ]))
    return lo


def _tc_body(bsel_ref, psel_ref, bq_ref, pq_ref, bias_ref, out_ref):
    y = (_sel_quarter(bsel_ref[...], bq_ref)
         + _sel_quarter(psel_ref[...], pq_ref) + bias_ref[...])
    out_ref[...] = y[:, :NOUT]


def _tc_dense(bsel, psel, bq, pq, fc_b):
    bias = jnp.pad(fc_b, (0, NQ - NOUT)).reshape(1, NQ)
    blk = 4096
    grid = (BATCH // blk,)
    return pl.pallas_call(
        _tc_body,
        grid=grid,
        in_specs=[
            pl.BlockSpec((blk, 4 * NQ), lambda i: (i, 0)),
            pl.BlockSpec((blk, 4 * NQ), lambda i: (i, 0)),
            pl.BlockSpec((blk, 1), lambda i: (i, 0)),
            pl.BlockSpec((blk, 1), lambda i: (i, 0)),
            pl.BlockSpec((1, NQ), lambda i: (0, 0)),
        ],
        out_specs=pl.BlockSpec((blk, NOUT), lambda i: (i, 0)),
        out_shape=jax.ShapeDtypeStruct((BATCH, NOUT), jnp.float32),
    )(bsel, psel, bq, pq, bias)


@jax.jit
def kernel(batter_idx, pitcher_idx, batter_table, pitcher_table, fc_w, fc_b):
    w1 = jnp.pad(fc_w[:, :VEC], ((0, NQ - NOUT), (0, 0)))
    w2 = jnp.pad(fc_w[:, VEC:], ((0, NQ - NOUT), (0, 0)))
    pquad = _tc_quad(pitcher_table.T, HP, w2)
    psel = _sc_gather(pitcher_idx, pquad, HP - 1)
    bquad = _tc_quad(batter_table.T, HB, w1)
    bsel = _sc_gather(batter_idx, bquad, HB - 1)
    bq = (batter_idx // HB).astype(jnp.float32).reshape(-1, 1)
    pq = (pitcher_idx // HP).astype(jnp.float32).reshape(-1, 1)
    return _tc_dense(bsel, psel, bq, pq, fc_b)

# --- scband reference (transcript-rebuilt; emitter-appended) ---
"""Pipeline reference for scband-baseball-model-27831388078732 (READ-ONLY COPY).

The authoritative reference and input builder live on the scoring server;
editing this copy changes nothing except your own understanding.
"""

import jax, jax.numpy as jnp
import numpy as np

NUM_BATTERS = 1000000
NUM_PITCHERS = 100000
VEC_SIZE = 64
NUM_OUTCOMES = 30
BATCH = 16384


def setup_inputs(seed: int = 0) -> dict:
    key = jax.random.key(seed)
    k1, k2, k3, k4, k5, k6 = jax.random.split(key, 6)
    batter_idx = jax.random.randint(k1, (BATCH,), 0, NUM_BATTERS, dtype=jnp.int64 if jax.config.jax_enable_x64 else jnp.int32)
    pitcher_idx = jax.random.randint(k2, (BATCH,), 0, NUM_PITCHERS, dtype=jnp.int64 if jax.config.jax_enable_x64 else jnp.int32)
    batter_table = jax.random.normal(k3, (NUM_BATTERS, VEC_SIZE), dtype=jnp.float32)
    pitcher_table = jax.random.normal(k4, (NUM_PITCHERS, VEC_SIZE), dtype=jnp.float32)
    # nn.Linear(vec_size*2, num_outcomes): weight [out, in], bias [out]
    bound = 1.0 / np.sqrt(VEC_SIZE * 2)
    fc_w = jax.random.uniform(k5, (NUM_OUTCOMES, VEC_SIZE * 2), minval=-bound, maxval=bound, dtype=jnp.float32)
    fc_b = jax.random.uniform(k6, (NUM_OUTCOMES,), minval=-bound, maxval=bound, dtype=jnp.float32)
    return {
        "batter_idx": batter_idx,
        "pitcher_idx": pitcher_idx,
        "batter_table": batter_table,
        "pitcher_table": pitcher_table,
        "fc_w": fc_w,
        "fc_b": fc_b,
    }


def reference(batter_idx, pitcher_idx, batter_table, pitcher_table, fc_w, fc_b):
    batter_embed = jax.nn.sigmoid(jnp.take(batter_table, batter_idx, axis=0).reshape(-1, VEC_SIZE))
    pitcher_embed = jax.nn.sigmoid(jnp.take(pitcher_table, pitcher_idx, axis=0).reshape(-1, VEC_SIZE))
    combined = jnp.concatenate((batter_embed, pitcher_embed), axis=1)
    output = combined @ fc_w.T + fc_b
    return output

if __name__ == "__main__":
    import jax
    _d = setup_inputs()
    print(jax.jit(kernel)(*tuple(_d.values())))

</pallas_src>

<mosaic_0001>
#map = affine_map<(d0, d1) -> (0)>
#map1 = affine_map<(d0, d1) -> (0, 0)>
module attributes {stable_mosaic.version = 14 : i64} {
  func.func @k(%arg0: i32, %arg1: i32, %arg2: memref<16384xi32, #tpu.memory_space<hbm>>, %arg3: memref<32768x128xf32, #tpu.memory_space<hbm>>, %arg4: memref<16384x128xf32, #tpu.memory_space<hbm>>, %arg5: memref<512xi32, #tpu.memory_space<vmem>>, %arg6: memref<512x128xf32, #tpu.memory_space<vmem>>, %arg7: memref<!tpu.dma_semaphore, #tpu.memory_space<semaphore_mem>>) attributes {dimension_semantics = [#tpu.dimension_semantics<core_parallel>, #tpu.dimension_semantics<subcore_parallel>], iteration_bounds = array<i64: 2, 16>, scalar_prefetch = 0 : i64, scratch_operands = 3 : i64, tpu.core_type = #tpu.core_type<sc_vector_subcore>, window_params = [{transform_indices = #map}, {transform_indices = #map1}, {transform_indices = #map1}]} {
    %mul3A = arith.constant 2 : i32
    %mul3A_0 = arith.muli %arg1, %mul3A : i32
    %add3A = arith.addi %mul3A_0, %arg0 : i32
    %mul3A_1 = arith.constant 512 : i32
    %mul3A_2 = arith.muli %add3A, %mul3A_1 : i32
    "tpu.region"() ({
      %run_scoped3A = tpu.sem_alloc : memref<!tpu.dma_semaphore, #tpu.memory_space<semaphore_mem>>
      %dma_start3A_382 = tpu.memref_slice %arg2[%mul3A_2] : memref<16384xi32, #tpu.memory_space<hbm>> -> memref<512xi32, #tpu.memory_space<hbm>>
      %dma_start3A_383 = tpu.memref_slice %arg2[%mul3A_2] : memref<16384xi32, #tpu.memory_space<hbm>> -> memref<512xi32, #tpu.memory_space<hbm>>
      tpu.enqueue_dma source(%dma_start3A_383 : memref<512xi32, #tpu.memory_space<hbm>>) target(%arg5 : memref<512xi32, #tpu.memory_space<vmem>>) target_semaphore(%run_scoped3A : memref<!tpu.dma_semaphore, #tpu.memory_space<semaphore_mem>>)
      %dma_wait3A_384 = tpu.memref_slice %arg2[%mul3A_2] : memref<16384xi32, #tpu.memory_space<hbm>> -> memref<512xi32, #tpu.memory_space<hbm>>
      %dma_wait3A_385 = tpu.memref_slice %arg2[%mul3A_2] : memref<16384xi32, #tpu.memory_space<hbm>> -> memref<512xi32, #tpu.memory_space<hbm>>
      tpu.wait_dma2 semaphore(%run_scoped3A : memref<!tpu.dma_semaphore, #tpu.memory_space<semaphore_mem>>) src(%dma_wait3A_385 : memref<512xi32, #tpu.memory_space<hbm>>) dst(%arg5 : memref<512xi32, #tpu.memory_space<vmem>>)
      tpu.yield
    }) : () -> ()
    %get3A = arith.constant 0 : index
    %get3A_3 = tpu.vector_load %arg5[%get3A] {strides = array<i32>} : memref<512xi32, #tpu.memory_space<vmem>>, vector<16xi32>,
    %get3A_4 = vector.shape_cast %get3A_3 : vector<16xi32> to vector<16xi32>
    %and3A = arith.constant 32767 : i32
    %and3A_5 = vector.broadcast %and3A : i32 to vector<16xi32>
    %and3A_6 = arith.andi %get3A_4, %and3A_5 : vector<16xi32>
    %swap3A = arith.constant 0 : index
    %swap3A_7 = tpu.vector_load %arg5[%swap3A] {strides = array<i32>} : memref<512xi32, #tpu.memory_space<vmem>>, vector<16xi32>,
    %swap3A_8 = vector.shape_cast %swap3A_7 : vector<16xi32> to vector<16xi32>
    %swap3A_9 = vector.shape_cast %and3A_6 : vector<16xi32> to vector<16xi32>
    tpu.vector_store %arg5[%swap3A], %swap3A_9 {strides = array<i32>} : memref<512xi32, #tpu.memory_space<vmem>>, vector<16xi32>,
    %get3A_10 = arith.constant 16 : index
    %get3A_11 = tpu.vector_load %arg5[%get3A_10] {strides = array<i32>} : memref<512xi32, #tpu.memory_space<vmem>>, vector<16xi32>,
    %get3A_12 = vector.shape_cast %get3A_11 : vector<16xi32> to vector<16xi32>
    %and3A_13 = arith.constant 32767 : i32
    %and3A_14 = vector.broadcast %and3A_13 : i32 to vector<16xi32>
    %and3A_15 = arith.andi %get3A_12, %and3A_14 : vector<16xi32>
    %swap3A_16 = arith.constant 16 : index
    %swap3A_17 = tpu.vector_load %arg5[%swap3A_16] {strides = array<i32>} : memref<512xi32, #tpu.memory_space<vmem>>, vector<16xi32>,
    %swap3A_18 = vector.shape_cast %swap3A_17 : vector<16xi32> to vector<16xi32>
    %swap3A_19 = vector.shape_cast %and3A_15 : vector<16xi32> to vector<16xi32>
    tpu.vector_store %arg5[%swap3A_16], %swap3A_19 {strides = array<i32>} : memref<512xi32, #tpu.memory_space<vmem>>, vector<16xi32>,
    %get3A_20 = arith.constant 32 : index
    %get3A_21 = tpu.vector_load %arg5[%get3A_20] {strides = array<i32>} : memref<512xi32, #tpu.memory_space<vmem>>, vector<16xi32>,
    %get3A_22 = vector.shape_cast %get3A_21 : vector<16xi32> to vector<16xi32>
    %and3A_23 = arith.constant 32767 : i32
    %and3A_24 = vector.broadcast %and3A_23 : i32 to vector<16xi32>
    %and3A_25 = arith.andi %get3A_22, %and3A_24 : vector<16xi32>
    %swap3A_26 = arith.constant 32 : index
    %swap3A_27 = tpu.vector_load %arg5[%swap3A_26] {strides = array<i32>} : memref<512xi32, #tpu.memory_space<vmem>>, vector<16xi32>,
    %swap3A_28 = vector.shape_cast %swap3A_27 : vector<16xi32> to vector<16xi32>
    %swap3A_29 = vector.shape_cast %and3A_25 : vector<16xi32> to vector<16xi32>
    tpu.vector_store %arg5[%swap3A_26], %swap3A_29 {strides = array<i32>} : memref<512xi32, #tpu.memory_space<vmem>>, vector<16xi32>,
    %get3A_30 = arith.constant 48 : index
    %get3A_31 = tpu.vector_load %arg5[%get3A_30] {strides = array<i32>} : memref<512xi32, #tpu.memory_space<vmem>>, vector<16xi32>,
    %get3A_32 = vector.shape_cast %get3A_31 : vector<16xi32> to vector<16xi32>
    %and3A_33 = arith.constant 32767 : i32
    %and3A_34 = vector.broadcast %and3A_33 : i32 to vector<16xi32>
    %and3A_35 = arith.andi %get3A_32, %and3A_34 : vector<16xi32>
    %swap3A_36 = arith.constant 48 : index
    %swap3A_37 = tpu.vector_load %arg5[%swap3A_36] {strides = array<i32>} : memref<512xi32, #tpu.memory_space<vmem>>, vector<16xi32>,
    %swap3A_38 = vector.shape_cast %swap3A_37 : vector<16xi32> to vector<16xi32>
    %swap3A_39 = vector.shape_cast %and3A_35 : vector<16xi32> to vector<16xi32>
    tpu.vector_store %arg5[%swap3A_36], %swap3A_39 {strides = array<i32>} : memref<512xi32, #tpu.memory_space<vmem>>, vector<16xi32>,
    %get3A_40 = arith.constant 64 : index
    %get3A_41 = tpu.vector_load %arg5[%get3A_40] {strides = array<i32>} : memref<512xi32, #tpu.memory_space<vmem>>, vector<16xi32>,
    %get3A_42 = vector.shape_cast %get3A_41 : vector<16xi32> to vector<16xi32>
    %and3A_43 = arith.constant 32767 : i32
    %and3A_44 = vector.broadcast %and3A_43 : i32 to vector<16xi32>
    %and3A_45 = arith.andi %get3A_42, %and3A_44 : vector<16xi32>
    %swap3A_46 = arith.constant 64 : index
    %swap3A_47 = tpu.vector_load %arg5[%swap3A_46] {strides = array<i32>} : memref<512xi32, #tpu.memory_space<vmem>>, vector<16xi32>,
    %swap3A_48 = vector.shape_cast %swap3A_47 : vector<16xi32> to vector<16xi32>
    %swap3A_49 = vector.shape_cast %and3A_45 : vector<16xi32> to vector<16xi32>
    tpu.vector_store %arg5[%swap3A_46], %swap3A_49 {strides = array<i32>} : memref<512xi32, #tpu.memory_space<vmem>>, vector<16xi32>,
    %get3A_50 = arith.constant 80 : index
    %get3A_51 = tpu.vector_load %arg5[%get3A_50] {strides = array<i32>} : memref<512xi32, #tpu.memory_space<vmem>>, vector<16xi32>,
    %get3A_52 = vector.shape_cast %get3A_51 : vector<16xi32> to vector<16xi32>
    %and3A_53 = arith.constant 32767 : i32
    %and3A_54 = vector.broadcast %and3A_53 : i32 to vector<16xi32>
    %and3A_55 = arith.andi %get3A_52, %and3A_54 : vector<16xi32>
    %swap3A_56 = arith.constant 80 : index
    %swap3A_57 = tpu.vector_load %arg5[%swap3A_56] {strides = array<i32>} : memref<512xi32, #tpu.memory_space<vmem>>, vector<16xi32>,
    %swap3A_58 = vector.shape_cast %swap3A_57 : vector<16xi32> to vector<16xi32>
    %swap3A_59 = vector.shape_cast %and3A_55 : vector<16xi32> to vector<16xi32>
    tpu.vector_store %arg5[%swap3A_56], %swap3A_59 {strides = array<i32>} : memref<512xi32, #tpu.memory_space<vmem>>, vector<16xi32>,
    %get3A_60 = arith.constant 96 : index
    %get3A_61 = tpu.vector_load %arg5[%get3A_60] {strides = array<i32>} : memref<512xi32, #tpu.memory_space<vmem>>, vector<16xi32>,
    %get3A_62 = vector.shape_cast %get3A_61 : vector<16xi32> to vector<16xi32>
    %and3A_63 = arith.constant 32767 : i32
    %and3A_64 = vector.broadcast %and3A_63 : i32 to vector<16xi32>
    %and3A_65 = arith.andi %get3A_62, %and3A_64 : vector<16xi32>
    %swap3A_66 = arith.constant 96 : index
    %swap3A_67 = tpu.vector_load %arg5[%swap3A_66] {strides = array<i32>} : memref<512xi32, #tpu.memory_space<vmem>>, vector<16xi32>,
    %swap3A_68 = vector.shape_cast %swap3A_67 : vector<16xi32> to vector<16xi32>
    %swap3A_69 = vector.shape_cast %and3A_65 : vector<16xi32> to vector<16xi32>
    tpu.vector_store %arg5[%swap3A_66], %swap3A_69 {strides = array<i32>} : memref<512xi32, #tpu.memory_space<vmem>>, vector<16xi32>,
    %get3A_70 = arith.constant 112 : index
    %get3A_71 = tpu.vector_load %arg5[%get3A_70] {strides = array<i32>} : memref<512xi32, #tpu.memory_space<vmem>>, vector<16xi32>,
    %get3A_72 = vector.shape_cast %get3A_71 : vector<16xi32> to vector<16xi32>
    %and3A_73 = arith.constant 32767 : i32
    %and3A_74 = vector.broadcast %and3A_73 : i32 to vector<16xi32>
    %and3A_75 = arith.andi %get3A_72, %and3A_74 : vector<16xi32>
    %swap3A_76 = arith.constant 112 : index
    %swap3A_77 = tpu.vector_load %arg5[%swap3A_76] {strides = array<i32>} : memref<512xi32, #tpu.memory_space<vmem>>, vector<16xi32>,
    %swap3A_78 = vector.shape_cast %swap3A_77 : vector<16xi32> to vector<16xi32>
    %swap3A_79 = vector.shape_cast %and3A_75 : vector<16xi32> to vector<16xi32>
    tpu.vector_store %arg5[%swap3A_76], %swap3A_79 {strides = array<i32>} : memref<512xi32, #tpu.memory_space<vmem>>, vector<16xi32>,
    %get3A_80 = arith.constant 128 : index
    %get3A_81 = tpu.vector_load %arg5[%get3A_80] {strides = array<i32>} : memref<512xi32, #tpu.memory_space<vmem>>, vector<16xi32>,
    %get3A_82 = vector.shape_cast %get3A_81 : vector<16xi32> to vector<16xi32>
    %and3A_83 = arith.constant 32767 : i32
    %and3A_84 = vector.broadcast %and3A_83 : i32 to vector<16xi32>
    %and3A_85 = arith.andi %get3A_82, %and3A_84 : vector<16xi32>
    %swap3A_86 = arith.constant 128 : index
    %swap3A_87 = tpu.vector_load %arg5[%swap3A_86] {strides = array<i32>} : memref<512xi32, #tpu.memory_space<vmem>>, vector<16xi32>,
    %swap3A_88 = vector.shape_cast %swap3A_87 : vector<16xi32> to vector<16xi32>
    %swap3A_89 = vector.shape_cast %and3A_85 : vector<16xi32> to vector<16xi32>
    tpu.vector_store %arg5[%swap3A_86], %swap3A_89 {strides = array<i32>} : memref<512xi32, #tpu.memory_space<vmem>>, vector<16xi32>,
    %get3A_90 = arith.constant 144 : index
    %get3A_91 = tpu.vector_load %arg5[%get3A_90] {strides = array<i32>} : memref<512xi32, #tpu.memory_space<vmem>>, vector<16xi32>,
    %get3A_92 = vector.shape_cast %get3A_91 : vector<16xi32> to vector<16xi32>
    %and3A_93 = arith.constant 32767 : i32
    %and3A_94 = vector.broadcast %and3A_93 : i32 to vector<16xi32>
    %and3A_95 = arith.andi %get3A_92, %and3A_94 : vector<16xi32>
    %swap3A_96 = arith.constant 144 : index
    %swap3A_97 = tpu.vector_load %arg5[%swap3A_96] {strides = array<i32>} : memref<512xi32, #tpu.memory_space<vmem>>, vector<16xi32>,
    %swap3A_98 = vector.shape_cast %swap3A_97 : vector<16xi32> to vector<16xi32>
    %swap3A_99 = vector.shape_cast %and3A_95 : vector<16xi32> to vector<16xi32>
    tpu.vector_store %arg5[%swap3A_96], %swap3A_99 {strides = array<i32>} : memref<512xi32, #tpu.memory_space<vmem>>, vector<16xi32>,
    %get3A_100 = arith.constant 160 : index
    %get3A_101 = tpu.vector_load %arg5[%get3A_100] {strides = array<i32>} : memref<512xi32, #tpu.memory_space<vmem>>, vector<16xi32>,
    %get3A_102 = vector.shape_cast %get3A_101 : vector<16xi32> to vector<16xi32>
    %and3A_103 = arith.constant 32767 : i32
    %and3A_104 = vector.broadcast %and3A_103 : i32 to vector<16xi32>
    %and3A_105 = arith.andi %get3A_102, %and3A_104 : vector<16xi32>
    %swap3A_106 = arith.constant 160 : index
    %swap3A_107 = tpu.vector_load %arg5[%swap3A_106] {strides = array<i32>} : memref<512xi32, #tpu.memory_space<vmem>>, vector<16xi32>,
    %swap3A_108 = vector.shape_cast %swap3A_107 : vector<16xi32> to vector<16xi32>
    %swap3A_109 = vector.shape_cast %and3A_105 : vector<16xi32> to vector<16xi32>
    tpu.vector_store %arg5[%swap3A_106], %swap3A_109 {strides = array<i32>} : memref<512xi32, #tpu.memory_space<vmem>>, vector<16xi32>,
    %get3A_110 = arith.constant 176 : index
    %get3A_111 = tpu.vector_load %arg5[%get3A_110] {strides = array<i32>} : memref<512xi32, #tpu.memory_space<vmem>>, vector<16xi32>,
    %get3A_112 = vector.shape_cast %get3A_111 : vector<16xi32> to vector<16xi32>
    %and3A_113 = arith.constant 32767 : i32
    %and3A_114 = vector.broadcast %and3A_113 : i32 to vector<16xi32>
    %and3A_115 = arith.andi %get3A_112, %and3A_114 : vector<16xi32>
    %swap3A_116 = arith.constant 176 : index
    %swap3A_117 = tpu.vector_load %arg5[%swap3A_116] {strides = array<i32>} : memref<512xi32, #tpu.memory_space<vmem>>, vector<16xi32>,
    %swap3A_118 = vector.shape_cast %swap3A_117 : vector<16xi32> to vector<16xi32>
    %swap3A_119 = vector.shape_cast %and3A_115 : vector<16xi32> to vector<16xi32>
    tpu.vector_store %arg5[%swap3A_116], %swap3A_119 {strides = array<i32>} : memref<512xi32, #tpu.memory_space<vmem>>, vector<16xi32>,
    %get3A_120 = arith.constant 192 : index
    %get3A_121 = tpu.vector_load %arg5[%get3A_120] {strides = array<i32>} : memref<512xi32, #tpu.memory_space<vmem>>, vector<16xi32>,
    %get3A_122 = vector.shape_cast %get3A_121 : vector<16xi32> to vector<16xi32>
    %and3A_123 = arith.constant 32767 : i32
    %and3A_124 = vector.broadcast %and3A_123 : i32 to vector<16xi32>
    %and3A_125 = arith.andi %get3A_122, %and3A_124 : vector<16xi32>
    %swap3A_126 = arith.constant 192 : index
    %swap3A_127 = tpu.vector_load %arg5[%swap3A_126] {strides = array<i32>} : memref<512xi32, #tpu.memory_space<vmem>>, vector<16xi32>,
    %swap3A_128 = vector.shape_cast %swap3A_127 : vector<16xi32> to vector<16xi32>
    %swap3A_129 = vector.shape_cast %and3A_125 : vector<16xi32> to vector<16xi32>
    tpu.vector_store %arg5[%swap3A_126], %swap3A_129 {strides = array<i32>} : memref<512xi32, #tpu.memory_space<vmem>>, vector<16xi32>,
    %get3A_130 = arith.constant 208 : index
    %get3A_131 = tpu.vector_load %arg5[%get3A_130] {strides = array<i32>} : memref<512xi32, #tpu.memory_space<vmem>>, vector<16xi32>,
    %get3A_132 = vector.shape_cast %get3A_131 : vector<16xi32> to vector<16xi32>
    %and3A_133 = arith.constant 32767 : i32
    %and3A_134 = vector.broadcast %and3A_133 : i32 to vector<16xi32>
    %and3A_135 = arith.andi %get3A_132, %and3A_134 : vector<16xi32>
    %swap3A_136 = arith.constant 208 : index
    %swap3A_137 = tpu.vector_load %arg5[%swap3A_136] {strides = array<i32>} : memref<512xi32, #tpu.memory_space<vmem>>, vector<16xi32>,
    %swap3A_138 = vector.shape_cast %swap3A_137 : vector<16xi32> to vector<16xi32>
    %swap3A_139 = vector.shape_cast %and3A_135 : vector<16xi32> to vector<16xi32>
    tpu.vector_store %arg5[%swap3A_136], %swap3A_139 {strides = array<i32>} : memref<512xi32, #tpu.memory_space<vmem>>, vector<16xi32>,
    %get3A_140 = arith.constant 224 : index
    %get3A_141 = tpu.vector_load %arg5[%get3A_140] {strides = array<i32>} : memref<512xi32, #tpu.memory_space<vmem>>, vector<16xi32>,
    %get3A_142 = vector.shape_cast %get3A_141 : vector<16xi32> to vector<16xi32>
    %and3A_143 = arith.constant 32767 : i32
    %and3A_144 = vector.broadcast %and3A_143 : i32 to vector<16xi32>
    %and3A_145 = arith.andi %get3A_142, %and3A_144 : vector<16xi32>
    %swap3A_146 = arith.constant 224 : index
    %swap3A_147 = tpu.vector_load %arg5[%swap3A_146] {strides = array<i32>} : memref<512xi32, #tpu.memory_space<vmem>>, vector<16xi32>,
    %swap3A_148 = vector.shape_cast %swap3A_147 : vector<16xi32> to vector<16xi32>
    %swap3A_149 = vector.shape_cast %and3A_145 : vector<16xi32> to vector<16xi32>
    tpu.vector_store %arg5[%swap3A_146], %swap3A_149 {strides = array<i32>} : memref<512xi32, #tpu.memory_space<vmem>>, vector<16xi32>,
    %get3A_150 = arith.constant 240 : index
    %get3A_151 = tpu.vector_load %arg5[%get3A_150] {strides = array<i32>} : memref<512xi32, #tpu.memory_space<vmem>>, vector<16xi32>,
    %get3A_152 = vector.shape_cast %get3A_151 : vector<16xi32> to vector<16xi32>
    %and3A_153 = arith.constant 32767 : i32
    %and3A_154 = vector.broadcast %and3A_153 : i32 to vector<16xi32>
    %and3A_155 = arith.andi %get3A_152, %and3A_154 : vector<16xi32>
    %swap3A_156 = arith.constant 240 : index
    %swap3A_157 = tpu.vector_load %arg5[%swap3A_156] {strides = array<i32>} : memref<512xi32, #tpu.memory_space<vmem>>, vector<16xi32>,
    %swap3A_158 = vector.shape_cast %swap3A_157 : vector<16xi32> to vector<16xi32>
    %swap3A_159 = vector.shape_cast %and3A_155 : vector<16xi32> to vector<16xi32>
    tpu.vector_store %arg5[%swap3A_156], %swap3A_159 {strides = array<i32>} : memref<512xi32, #tpu.memory_space<vmem>>, vector<16xi32>,
    %get3A_160 = arith.constant 256 : index
    %get3A_161 = tpu.vector_load %arg5[%get3A_160] {strides = array<i32>} : memref<512xi32, #tpu.memory_space<vmem>>, vector<16xi32>,
    %get3A_162 = vector.shape_cast %get3A_161 : vector<16xi32> to vector<16xi32>
    %and3A_163 = arith.constant 32767 : i32
    %and3A_164 = vector.broadcast %and3A_163 : i32 to vector<16xi32>
    %and3A_165 = arith.andi %get3A_162, %and3A_164 : vector<16xi32>
    %swap3A_166 = arith.constant 256 : index
    %swap3A_167 = tpu.vector_load %arg5[%swap3A_166] {strides = array<i32>} : memref<512xi32, #tpu.memory_space<vmem>>, vector<16xi32>,
    %swap3A_168 = vector.shape_cast %swap3A_167 : vector<16xi32> to vector<16xi32>
    %swap3A_169 = vector.shape_cast %and3A_165 : vector<16xi32> to vector<16xi32>
    tpu.vector_store %arg5[%swap3A_166], %swap3A_169 {strides = array<i32>} : memref<512xi32, #tpu.memory_space<vmem>>, vector<16xi32>,
    %get3A_170 = arith.constant 272 : index
    %get3A_171 = tpu.vector_load %arg5[%get3A_170] {strides = array<i32>} : memref<512xi32, #tpu.memory_space<vmem>>, vector<16xi32>,
    %get3A_172 = vector.shape_cast %get3A_171 : vector<16xi32> to vector<16xi32>
    %and3A_173 = arith.constant 32767 : i32
    %and3A_174 = vector.broadcast %and3A_173 : i32 to vector<16xi32>
    %and3A_175 = arith.andi %get3A_172, %and3A_174 : vector<16xi32>
    %swap3A_176 = arith.constant 272 : index
    %swap3A_177 = tpu.vector_load %arg5[%swap3A_176] {strides = array<i32>} : memref<512xi32, #tpu.memory_space<vmem>>, vector<16xi32>,
    %swap3A_178 = vector.shape_cast %swap3A_177 : vector<16xi32> to vector<16xi32>
    %swap3A_179 = vector.shape_cast %and3A_175 : vector<16xi32> to vector<16xi32>
    tpu.vector_store %arg5[%swap3A_176], %swap3A_179 {strides = array<i32>} : memref<512xi32, #tpu.memory_space<vmem>>, vector<16xi32>,
    %get3A_180 = arith.constant 288 : index
    %get3A_181 = tpu.vector_load %arg5[%get3A_180] {strides = array<i32>} : memref<512xi32, #tpu.memory_space<vmem>>, vector<16xi32>,
    %get3A_182 = vector.shape_cast %get3A_181 : vector<16xi32> to vector<16xi32>
    %and3A_183 = arith.constant 32767 : i32
    %and3A_184 = vector.broadcast %and3A_183 : i32 to vector<16xi32>
    %and3A_185 = arith.andi %get3A_182, %and3A_184 : vector<16xi32>
    %swap3A_186 = arith.constant 288 : index
    %swap3A_187 = tpu.vector_load %arg5[%swap3A_186] {strides = array<i32>} : memref<512xi32, #tpu.memory_space<vmem>>, vector<16xi32>,
    %swap3A_188 = vector.shape_cast %swap3A_187 : vector<16xi32> to vector<16xi32>
    %swap3A_189 = vector.shape_cast %and3A_185 : vector<16xi32> to vector<16xi32>
    tpu.vector_store %arg5[%swap3A_186], %swap3A_189 {strides = array<i32>} : memref<512xi32, #tpu.memory_space<vmem>>, vector<16xi32>,
    %get3A_190 = arith.constant 304 : index
    %get3A_191 = tpu.vector_load %arg5[%get3A_190] {strides = array<i32>} : memref<512xi32, #tpu.memory_space<vmem>>, vector<16xi32>,
    %get3A_192 = vector.shape_cast %get3A_191 : vector<16xi32> to vector<16xi32>
    %and3A_193 = arith.constant 32767 : i32
    %and3A_194 = vector.broadcast %and3A_193 : i32 to vector<16xi32>
    %and3A_195 = arith.andi %get3A_192, %and3A_194 : vector<16xi32>
    %swap3A_196 = arith.constant 304 : index
    %swap3A_197 = tpu.vector_load %arg5[%swap3A_196] {strides = array<i32>} : memref<512xi32, #tpu.memory_space<vmem>>, vector<16xi32>,
    %swap3A_198 = vector.shape_cast %swap3A_197 : vector<16xi32> to vector<16xi32>
    %swap3A_199 = vector.shape_cast %and3A_195 : vector<16xi32> to vector<16xi32>
    tpu.vector_store %arg5[%swap3A_196], %swap3A_199 {strides = array<i32>} : memref<512xi32, #tpu.memory_space<vmem>>, vector<16xi32>,
    %get3A_200 = arith.constant 320 : index
    %get3A_201 = tpu.vector_load %arg5[%get3A_200] {strides = array<i32>} : memref<512xi32, #tpu.memory_space<vmem>>, vector<16xi32>,
    %get3A_202 = vector.shape_cast %get3A_201 : vector<16xi32> to vector<16xi32>
    %and3A_203 = arith.constant 32767 : i32
    %and3A_204 = vector.broadcast %and3A_203 : i32 to vector<16xi32>
    %and3A_205 = arith.andi %get3A_202, %and3A_204 : vector<16xi32>
    %swap3A_206 = arith.constant 320 : index
    %swap3A_207 = tpu.vector_load %arg5[%swap3A_206] {strides = array<i32>} : memref<512xi32, #tpu.memory_space<vmem>>, vector<16xi32>,
    %swap3A_208 = vector.shape_cast %swap3A_207 : vector<16xi32> to vector<16xi32>
    %swap3A_209 = vector.shape_cast %and3A_205 : vector<16xi32> to vector<16xi32>
    tpu.vector_store %arg5[%swap3A_206], %swap3A_209 {strides = array<i32>} : memref<512xi32, #tpu.memory_space<vmem>>, vector<16xi32>,
    %get3A_210 = arith.constant 336 : index
    %get3A_211 = tpu.vector_load %arg5[%get3A_210] {strides = array<i32>} : memref<512xi32, #tpu.memory_space<vmem>>, vector<16xi32>,
    %get3A_212 = vector.shape_cast %get3A_211 : vector<16xi32> to vector<16xi32>
    %and3A_213 = arith.constant 32767 : i32
    %and3A_214 = vector.broadcast %and3A_213 : i32 to vector<16xi32>
    %and3A_215 = arith.andi %get3A_212, %and3A_214 : vector<16xi32>
    %swap3A_216 = arith.constant 336 : index
    %swap3A_217 = tpu.vector_load %arg5[%swap3A_216] {strides = array<i32>} : memref<512xi32, #tpu.memory_space<vmem>>, vector<16xi32>,
    %swap3A_218 = vector.shape_cast %swap3A_217 : vector<16xi32> to vector<16xi32>
    %swap3A_219 = vector.shape_cast %and3A_215 : vector<16xi32> to vector<16xi32>
    tpu.vector_store %arg5[%swap3A_216], %swap3A_219 {strides = array<i32>} : memref<512xi32, #tpu.memory_space<vmem>>, vector<16xi32>,
    %get3A_220 = arith.constant 352 : index
    %get3A_221 = tpu.vector_load %arg5[%get3A_220] {strides = array<i32>} : memref<512xi32, #tpu.memory_space<vmem>>, vector<16xi32>,
    %get3A_222 = vector.shape_cast %get3A_221 : vector<16xi32> to vector<16xi32>
    %and3A_223 = arith.constant 32767 : i32
    %and3A_224 = vector.broadcast %and3A_223 : i32 to vector<16xi32>
    %and3A_225 = arith.andi %get3A_222, %and3A_224 : vector<16xi32>
    %swap3A_226 = arith.constant 352 : index
    %swap3A_227 = tpu.vector_load %arg5[%swap3A_226] {strides = array<i32>} : memref<512xi32, #tpu.memory_space<vmem>>, vector<16xi32>,
    %swap3A_228 = vector.shape_cast %swap3A_227 : vector<16xi32> to vector<16xi32>
    %swap3A_229 = vector.shape_cast %and3A_225 : vector<16xi32> to vector<16xi32>
    tpu.vector_store %arg5[%swap3A_226], %swap3A_229 {strides = array<i32>} : memref<512xi32, #tpu.memory_space<vmem>>, vector<16xi32>,
    %get3A_230 = arith.constant 368 : index
    %get3A_231 = tpu.vector_load %arg5[%get3A_230] {strides = array<i32>} : memref<512xi32, #tpu.memory_space<vmem>>, vector<16xi32>,
    %get3A_232 = vector.shape_cast %get3A_231 : vector<16xi32> to vector<16xi32>
    %and3A_233 = arith.constant 32767 : i32
    %and3A_234 = vector.broadcast %and3A_233 : i32 to vector<16xi32>
    %and3A_235 = arith.andi %get3A_232, %and3A_234 : vector<16xi32>
    %swap3A_236 = arith.constant 368 : index
    %swap3A_237 = tpu.vector_load %arg5[%swap3A_236] {strides = array<i32>} : memref<512xi32, #tpu.memory_space<vmem>>, vector<16xi32>,
    %swap3A_238 = vector.shape_cast %swap3A_237 : vector<16xi32> to vector<16xi32>
    %swap3A_239 = vector.shape_cast %and3A_235 : vector<16xi32> to vector<16xi32>
    tpu.vector_store %arg5[%swap3A_236], %swap3A_239 {strides = array<i32>} : memref<512xi32, #tpu.memory_space<vmem>>, vector<16xi32>,
    %get3A_240 = arith.constant 384 : index
    %get3A_241 = tpu.vector_load %arg5[%get3A_240] {strides = array<i32>} : memref<512xi32, #tpu.memory_space<vmem>>, vector<16xi32>,
    %get3A_242 = vector.shape_cast %get3A_241 : vector<16xi32> to vector<16xi32>
    %and3A_243 = arith.constant 32767 : i32
    %and3A_244 = vector.broadcast %and3A_243 : i32 to vector<16xi32>
    %and3A_245 = arith.andi %get3A_242, %and3A_244 : vector<16xi32>
    %swap3A_246 = arith.constant 384 : index
    %swap3A_247 = tpu.vector_load %arg5[%swap3A_246] {strides = array<i32>} : memref<512xi32, #tpu.memory_space<vmem>>, vector<16xi32>,
    %swap3A_248 = vector.shape_cast %swap3A_247 : vector<16xi32> to vector<16xi32>
    %swap3A_249 = vector.shape_cast %and3A_245 : vector<16xi32> to vector<16xi32>
    tpu.vector_store %arg5[%swap3A_246], %swap3A_249 {strides = array<i32>} : memref<512xi32, #tpu.memory_space<vmem>>, vector<16xi32>,
    %get3A_250 = arith.constant 400 : index
    %get3A_251 = tpu.vector_load %arg5[%get3A_250] {strides = array<i32>} : memref<512xi32, #tpu.memory_space<vmem>>, vector<16xi32>,
    %get3A_252 = vector.shape_cast %get3A_251 : vector<16xi32> to vector<16xi32>
    %and3A_253 = arith.constant 32767 : i32
    %and3A_254 = vector.broadcast %and3A_253 : i32 to vector<16xi32>
    %and3A_255 = arith.andi %get3A_252, %and3A_254 : vector<16xi32>
    %swap3A_256 = arith.constant 400 : index
    %swap3A_257 = tpu.vector_load %arg5[%swap3A_256] {strides = array<i32>} : memref<512xi32, #tpu.memory_space<vmem>>, vector<16xi32>,
    %swap3A_258 = vector.shape_cast %swap3A_257 : vector<16xi32> to vector<16xi32>
    %swap3A_259 = vector.shape_cast %and3A_255 : vector<16xi32> to vector<16xi32>
    tpu.vector_store %arg5[%swap3A_256], %swap3A_259 {strides = array<i32>} : memref<512xi32, #tpu.memory_space<vmem>>, vector<16xi32>,
    %get3A_260 = arith.constant 416 : index
    %get3A_261 = tpu.vector_load %arg5[%get3A_260] {strides = array<i32>} : memref<512xi32, #tpu.memory_space<vmem>>, vector<16xi32>,
    %get3A_262 = vector.shape_cast %get3A_261 : vector<16xi32> to vector<16xi32>
    %and3A_263 = arith.constant 32767 : i32
    %and3A_264 = vector.broadcast %and3A_263 : i32 to vector<16xi32>
    %and3A_265 = arith.andi %get3A_262, %and3A_264 : vector<16xi32>
    %swap3A_266 = arith.constant 416 : index
    %swap3A_267 = tpu.vector_load %arg5[%swap3A_266] {strides = array<i32>} : memref<512xi32, #tpu.memory_space<vmem>>, vector<16xi32>,
    %swap3A_268 = vector.shape_cast %swap3A_267 : vector<16xi32> to vector<16xi32>
    %swap3A_269 = vector.shape_cast %and3A_265 : vector<16xi32> to vector<16xi32>
    tpu.vector_store %arg5[%swap3A_266], %swap3A_269 {strides = array<i32>} : memref<512xi32, #tpu.memory_space<vmem>>, vector<16xi32>,
    %get3A_270 = arith.constant 432 : index
    %get3A_271 = tpu.vector_load %arg5[%get3A_270] {strides = array<i32>} : memref<512xi32, #tpu.memory_space<vmem>>, vector<16xi32>,
    %get3A_272 = vector.shape_cast %get3A_271 : vector<16xi32> to vector<16xi32>
    %and3A_273 = arith.constant 32767 : i32
    %and3A_274 = vector.broadcast %and3A_273 : i32 to vector<16xi32>
    %and3A_275 = arith.andi %get3A_272, %and3A_274 : vector<16xi32>
    %swap3A_276 = arith.constant 432 : index
    %swap3A_277 = tpu.vector_load %arg5[%swap3A_276] {strides = array<i32>} : memref<512xi32, #tpu.memory_space<vmem>>, vector<16xi32>,
    %swap3A_278 = vector.shape_cast %swap3A_277 : vector<16xi32> to vector<16xi32>
    %swap3A_279 = vector.shape_cast %and3A_275 : vector<16xi32> to vector<16xi32>
    tpu.vector_store %arg5[%swap3A_276], %swap3A_279 {strides = array<i32>} : memref<512xi32, #tpu.memory_space<vmem>>, vector<16xi32>,
    %get3A_280 = arith.constant 448 : index
    %get3A_281 = tpu.vector_load %arg5[%get3A_280] {strides = array<i32>} : memref<512xi32, #tpu.memory_space<vmem>>, vector<16xi32>,
    %get3A_282 = vector.shape_cast %get3A_281 : vector<16xi32> to vector<16xi32>
    %and3A_283 = arith.constant 32767 : i32
    %and3A_284 = vector.broadcast %and3A_283 : i32 to vector<16xi32>
    %and3A_285 = arith.andi %get3A_282, %and3A_284 : vector<16xi32>
    %swap3A_286 = arith.constant 448 : index
    %swap3A_287 = tpu.vector_load %arg5[%swap3A_286] {strides = array<i32>} : memref<512xi32, #tpu.memory_space<vmem>>, vector<16xi32>,
    %swap3A_288 = vector.shape_cast %swap3A_287 : vector<16xi32> to vector<16xi32>
    %swap3A_289 = vector.shape_cast %and3A_285 : vector<16xi32> to vector<16xi32>
    tpu.vector_store %arg5[%swap3A_286], %swap3A_289 {strides = array<i32>} : memref<512xi32, #tpu.memory_space<vmem>>, vector<16xi32>,
    %get3A_290 = arith.constant 464 : index
    %get3A_291 = tpu.vector_load %arg5[%get3A_290] {strides = array<i32>} : memref<512xi32, #tpu.memory_space<vmem>>, vector<16xi32>,
    %get3A_292 = vector.shape_cast %get3A_291 : vector<16xi32> to vector<16xi32>
    %and3A_293 = arith.constant 32767 : i32
    %and3A_294 = vector.broadcast %and3A_293 : i32 to vector<16xi32>
    %and3A_295 = arith.andi %get3A_292, %and3A_294 : vector<16xi32>
    %swap3A_296 = arith.constant 464 : index
    %swap3A_297 = tpu.vector_load %arg5[%swap3A_296] {strides = array<i32>} : memref<512xi32, #tpu.memory_space<vmem>>, vector<16xi32>,
    %swap3A_298 = vector.shape_cast %swap3A_297 : vector<16xi32> to vector<16xi32>
    %swap3A_299 = vector.shape_cast %and3A_295 : vector<16xi32> to vector<16xi32>
    tpu.vector_store %arg5[%swap3A_296], %swap3A_299 {strides = array<i32>} : memref<512xi32, #tpu.memory_space<vmem>>, vector<16xi32>,
    %get3A_300 = arith.constant 480 : index
    %get3A_301 = tpu.vector_load %arg5[%get3A_300] {strides = array<i32>} : memref<512xi32, #tpu.memory_space<vmem>>, vector<16xi32>,
    %get3A_302 = vector.shape_cast %get3A_301 : vector<16xi32> to vector<16xi32>
    %and3A_303 = arith.constant 32767 : i32
    %and3A_304 = vector.broadcast %and3A_303 : i32 to vector<16xi32>
    %and3A_305 = arith.andi %get3A_302, %and3A_304 : vector<16xi32>
    %swap3A_306 = arith.constant 480 : index
    %swap3A_307 = tpu.vector_load %arg5[%swap3A_306] {strides = array<i32>} : memref<512xi32, #tpu.memory_space<vmem>>, vector<16xi32>,
    %swap3A_308 = vector.shape_cast %swap3A_307 : vector<16xi32> to vector<16xi32>
    %swap3A_309 = vector.shape_cast %and3A_305 : vector<16xi32> to vector<16xi32>
    tpu.vector_store %arg5[%swap3A_306], %swap3A_309 {strides = array<i32>} : memref<512xi32, #tpu.memory_space<vmem>>, vector<16xi32>,
    %get3A_310 = arith.constant 496 : index
    %get3A_311 = tpu.vector_load %arg5[%get3A_310] {strides = array<i32>} : memref<512xi32, #tpu.memory_space<vmem>>, vector<16xi32>,
    %get3A_312 = vector.shape_cast %get3A_311 : vector<16xi32> to vector<16xi32>
    %and3A_313 = arith.constant 32767 : i32
    %and3A_314 = vector.broadcast %and3A_313 : i32 to vector<16xi32>
    %and3A_315 = arith.andi %get3A_312, %and3A_314 : vector<16xi32>
    %swap3A_316 = arith.constant 496 : index
    %swap3A_317 = tpu.vector_load %arg5[%swap3A_316] {strides = array<i32>} : memref<512xi32, #tpu.memory_space<vmem>>, vector<16xi32>,
    %swap3A_318 = vector.shape_cast %swap3A_317 : vector<16xi32> to vector<16xi32>
    %swap3A_319 = vector.shape_cast %and3A_315 : vector<16xi32> to vector<16xi32>
    tpu.vector_store %arg5[%swap3A_316], %swap3A_319 {strides = array<i32>} : memref<512xi32, #tpu.memory_space<vmem>>, vector<16xi32>,
    %dma_start3A = arith.constant 0 : i32
    %dma_start3A_320 = arith.constant 0 : i32
    %dma_start3A_321 = tpu.memref_slice %arg6[%dma_start3A, %dma_start3A_320] : memref<512x128xf32, #tpu.memory_space<vmem>> -> memref<128x128xf32, #tpu.memory_space<vmem>>
    %dma_start3A_322 = arith.constant 0 : i32
    %dma_start3A_323 = tpu.memref_slice %arg5[%dma_start3A_322] : memref<512xi32, #tpu.memory_space<vmem>> -> memref<128xi32, #tpu.memory_space<vmem>>
    %dma_start3A_324 = arith.constant 0 : i32
    %dma_start3A_325 = arith.constant 0 : i32
    %dma_start3A_326 = tpu.memref_slice %arg3[%dma_start3A_324, %dma_start3A_325] : memref<32768x128xf32, #tpu.memory_space<hbm>> -> memref<32768x128xf32, #tpu.memory_space<hbm>>
    tpu.enqueue_indirect_dma source(%dma_start3A_326 : memref<32768x128xf32, #tpu.memory_space<hbm>>) target(%dma_start3A_321 : memref<128x128xf32, #tpu.memory_space<vmem>>) offsets(%dma_start3A_323 : memref<128xi32, #tpu.memory_space<vmem>>) semaphore(%arg7 : memref<!tpu.dma_semaphore, #tpu.memory_space<semaphore_mem>>)
    %dma_start3A_327 = arith.constant 128 : i32
    %dma_start3A_328 = arith.constant 0 : i32
    %dma_start3A_329 = tpu.memref_slice %arg6[%dma_start3A_327, %dma_start3A_328] : memref<512x128xf32, #tpu.memory_space<vmem>> -> memref<128x128xf32, #tpu.memory_space<vmem>>
    %dma_start3A_330 = arith.constant 128 : i32
    %dma_start3A_331 = tpu.memref_slice %arg5[%dma_start3A_330] : memref<512xi32, #tpu.memory_space<vmem>> -> memref<128xi32, #tpu.memory_space<vmem>>
    %dma_start3A_332 = arith.constant 0 : i32
    %dma_start3A_333 = arith.constant 0 : i32
    %dma_start3A_334 = tpu.memref_slice %arg3[%dma_start3A_332, %dma_start3A_333] : memref<32768x128xf32, #tpu.memory_space<hbm>> -> memref<32768x128xf32, #tpu.memory_space<hbm>>
    tpu.enqueue_indirect_dma source(%dma_start3A_334 : memref<32768x128xf32, #tpu.memory_space<hbm>>) target(%dma_start3A_329 : memref<128x128xf32, #tpu.memory_space<vmem>>) offsets(%dma_start3A_331 : memref<128xi32, #tpu.memory_space<vmem>>) semaphore(%arg7 : memref<!tpu.dma_semaphore, #tpu.memory_space<semaphore_mem>>)
    %dma_start3A_335 = arith.constant 256 : i32
    %dma_start3A_336 = arith.constant 0 : i32
    %dma_start3A_337 = tpu.memref_slice %arg6[%dma_start3A_335, %dma_start3A_336] : memref<512x128xf32, #tpu.memory_space<vmem>> -> memref<128x128xf32, #tpu.memory_space<vmem>>
    %dma_start3A_338 = arith.constant 256 : i32
    %dma_start3A_339 = tpu.memref_slice %arg5[%dma_start3A_338] : memref<512xi32, #tpu.memory_space<vmem>> -> memref<128xi32, #tpu.memory_space<vmem>>
    %dma_start3A_340 = arith.constant 0 : i32
    %dma_start3A_341 = arith.constant 0 : i32
    %dma_start3A_342 = tpu.memref_slice %arg3[%dma_start3A_340, %dma_start3A_341] : memref<32768x128xf32, #tpu.memory_space<hbm>> -> memref<32768x128xf32, #tpu.memory_space<hbm>>
    tpu.enqueue_indirect_dma source(%dma_start3A_342 : memref<32768x128xf32, #tpu.memory_space<hbm>>) target(%dma_start3A_337 : memref<128x128xf32, #tpu.memory_space<vmem>>) offsets(%dma_start3A_339 : memref<128xi32, #tpu.memory_space<vmem>>) semaphore(%arg7 : memref<!tpu.dma_semaphore, #tpu.memory_space<semaphore_mem>>)
    %dma_start3A_343 = arith.constant 384 : i32
    %dma_start3A_344 = arith.constant 0 : i32
    %dma_start3A_345 = tpu.memref_slice %arg6[%dma_start3A_343, %dma_start3A_344] : memref<512x128xf32, #tpu.memory_space<vmem>> -> memref<128x128xf32, #tpu.memory_space<vmem>>
    %dma_start3A_346 = arith.constant 384 : i32
    %dma_start3A_347 = tpu.memref_slice %arg5[%dma_start3A_346] : memref<512xi32, #tpu.memory_space<vmem>> -> memref<128xi32, #tpu.memory_space<vmem>>
    %dma_start3A_348 = arith.constant 0 : i32
    %dma_start3A_349 = arith.constant 0 : i32
    %dma_start3A_350 = tpu.memref_slice %arg3[%dma_start3A_348, %dma_start3A_349] : memref<32768x128xf32, #tpu.memory_space<hbm>> -> memref<32768x128xf32, #tpu.memory_space<hbm>>
    tpu.enqueue_indirect_dma source(%dma_start3A_350 : memref<32768x128xf32, #tpu.memory_space<hbm>>) target(%dma_start3A_345 : memref<128x128xf32, #tpu.memory_space<vmem>>) offsets(%dma_start3A_347 : memref<128xi32, #tpu.memory_space<vmem>>) semaphore(%arg7 : memref<!tpu.dma_semaphore, #tpu.memory_space<semaphore_mem>>)
    %dma_wait3A = arith.constant 0 : i32
    %dma_wait3A_351 = arith.constant 0 : i32
    %dma_wait3A_352 = tpu.memref_slice %arg6[%dma_wait3A, %dma_wait3A_351] : memref<512x128xf32, #tpu.memory_space<vmem>> -> memref<128x128xf32, #tpu.memory_space<vmem>>
    %dma_wait3A_353 = arith.constant 0 : i32
    %dma_wait3A_354 = tpu.memref_slice %arg5[%dma_wait3A_353] : memref<512xi32, #tpu.memory_space<vmem>> -> memref<128xi32, #tpu.memory_space<vmem>>
    %dma_wait3A_355 = arith.constant 0 : i32
    %dma_wait3A_356 = arith.constant 0 : i32
    %dma_wait3A_357 = tpu.memref_slice %arg3[%dma_wait3A_355, %dma_wait3A_356] : memref<32768x128xf32, #tpu.memory_space<hbm>> -> memref<32768x128xf32, #tpu.memory_space<hbm>>
    tpu.wait_indirect_dma semaphore(%arg7 : memref<!tpu.dma_semaphore, #tpu.memory_space<semaphore_mem>>) src(%dma_wait3A_357 : memref<32768x128xf32, #tpu.memory_space<hbm>>) dst(%dma_wait3A_352 : memref<128x128xf32, #tpu.memory_space<vmem>>)
    %dma_wait3A_358 = arith.constant 128 : i32
    %dma_wait3A_359 = arith.constant 0 : i32
    %dma_wait3A_360 = tpu.memref_slice %arg6[%dma_wait3A_358, %dma_wait3A_359] : memref<512x128xf32, #tpu.memory_space<vmem>> -> memref<128x128xf32, #tpu.memory_space<vmem>>
    %dma_wait3A_361 = arith.constant 128 : i32
    %dma_wait3A_362 = tpu.memref_slice %arg5[%dma_wait3A_361] : memref<512xi32, #tpu.memory_space<vmem>> -> memref<128xi32, #tpu.memory_space<vmem>>
    %dma_wait3A_363 = arith.constant 0 : i32
    %dma_wait3A_364 = arith.constant 0 : i32
    %dma_wait3A_365 = tpu.memref_slice %arg3[%dma_wait3A_363, %dma_wait3A_364] : memref<32768x128xf32, #tpu.memory_space<hbm>> -> memref<32768x128xf32, #tpu.memory_space<hbm>>
    tpu.wait_indirect_dma semaphore(%arg7 : memref<!tpu.dma_semaphore, #tpu.memory_space<semaphore_mem>>) src(%dma_wait3A_365 : memref<32768x128xf32, #tpu.memory_space<hbm>>) dst(%dma_wait3A_360 : memref<128x128xf32, #tpu.memory_space<vmem>>)
    %dma_wait3A_366 = arith.constant 256 : i32
    %dma_wait3A_367 = arith.constant 0 : i32
    %dma_wait3A_368 = tpu.memref_slice %arg6[%dma_wait3A_366, %dma_wait3A_367] : memref<512x128xf32, #tpu.memory_space<vmem>> -> memref<128x128xf32, #tpu.memory_space<vmem>>
    %dma_wait3A_369 = arith.constant 256 : i32
    %dma_wait3A_370 = tpu.memref_slice %arg5[%dma_wait3A_369] : memref<512xi32, #tpu.memory_space<vmem>> -> memref<128xi32, #tpu.memory_space<vmem>>
    %dma_wait3A_371 = arith.constant 0 : i32
    %dma_wait3A_372 = arith.constant 0 : i32
    %dma_wait3A_373 = tpu.memref_slice %arg3[%dma_wait3A_371, %dma_wait3A_372] : memref<32768x128xf32, #tpu.memory_space<hbm>> -> memref<32768x128xf32, #tpu.memory_space<hbm>>
    tpu.wait_indirect_dma semaphore(%arg7 : memref<!tpu.dma_semaphore, #tpu.memory_space<semaphore_mem>>) src(%dma_wait3A_373 : memref<32768x128xf32, #tpu.memory_space<hbm>>) dst(%dma_wait3A_368 : memref<128x128xf32, #tpu.memory_space<vmem>>)
    %dma_wait3A_374 = arith.constant 384 : i32
    %dma_wait3A_375 = arith.constant 0 : i32
    %dma_wait3A_376 = tpu.memref_slice %arg6[%dma_wait3A_374, %dma_wait3A_375] : memref<512x128xf32, #tpu.memory_space<vmem>> -> memref<128x128xf32, #tpu.memory_space<vmem>>
    %dma_wait3A_377 = arith.constant 384 : i32
    %dma_wait3A_378 = tpu.memref_slice %arg5[%dma_wait3A_377] : memref<512xi32, #tpu.memory_space<vmem>> -> memref<128xi32, #tpu.memory_space<vmem>>
    %dma_wait3A_379 = arith.constant 0 : i32
    %dma_wait3A_380 = arith.constant 0 : i32
    %dma_wait3A_381 = tpu.memref_slice %arg3[%dma_wait3A_379, %dma_wait3A_380] : memref<32768x128xf32, #tpu.memory_space<hbm>> -> memref<32768x128xf32, #tpu.memory_space<hbm>>
    tpu.wait_indirect_dma semaphore(%arg7 : memref<!tpu.dma_semaphore, #tpu.memory_space<semaphore_mem>>) src(%dma_wait3A_381 : memref<32768x128xf32, #tpu.memory_space<hbm>>) dst(%dma_wait3A_376 : memref<128x128xf32, #tpu.memory_space<vmem>>)
    "tpu.region"() ({
      %run_scoped3A = tpu.sem_alloc : memref<!tpu.dma_semaphore, #tpu.memory_space<semaphore_mem>>
      %dma_start3A_382 = arith.constant 0 : i32
      %dma_start3A_383 = tpu.memref_slice %arg4[%mul3A_2, %dma_start3A_382] : memref<16384x128xf32, #tpu.memory_space<hbm>> -> memref<512x128xf32, #tpu.memory_space<hbm>>
      %dma_start3A_384 = arith.constant 0 : i32
      %dma_start3A_385 = tpu.memref_slice %arg4[%mul3A_2, %dma_start3A_384] : memref<16384x128xf32, #tpu.memory_space<hbm>> -> memref<512x128xf32, #tpu.memory_space<hbm>>
      tpu.enqueue_dma source(%arg6 : memref<512x128xf32, #tpu.memory_space<vmem>>) target(%dma_start3A_385 : memref<512x128xf32, #tpu.memory_space<hbm>>) target_semaphore(%run_scoped3A : memref<!tpu.dma_semaphore, #tpu.memory_space<semaphore_mem>>)
      %dma_wait3A_386 = arith.constant 0 : i32
      %dma_wait3A_387 = tpu.memref_slice %arg4[%mul3A_2, %dma_wait3A_386] : memref<16384x128xf32, #tpu.memory_space<hbm>> -> memref<512x128xf32, #tpu.memory_space<hbm>>
      %dma_wait3A_388 = arith.constant 0 : i32
      %dma_wait3A_389 = tpu.memref_slice %arg4[%mul3A_2, %dma_wait3A_388] : memref<16384x128xf32, #tpu.memory_space<hbm>> -> memref<512x128xf32, #tpu.memory_space<hbm>>
      tpu.wait_dma2 semaphore(%run_scoped3A : memref<!tpu.dma_semaphore, #tpu.memory_space<semaphore_mem>>) src(%arg6 : memref<512x128xf32, #tpu.memory_space<vmem>>) dst(%dma_wait3A_389 : memref<512x128xf32, #tpu.memory_space<hbm>>)
      tpu.yield
    }) : () -> ()
    return
  }
}

#map = affine_map<(d0, d1) -> (0)>
#map1 = affine_map<(d0, d1) -> (0, 0)>
module attributes {stable_mosaic.version = 14 : i64} {
  func.func @k(%arg0: i32, %arg1: i32, %arg2: memref<16384xi32, #tpu.memory_space<hbm>>, %arg3: memref<262144x128xf32, #tpu.memory_space<hbm>>, %arg4: memref<16384x128xf32, #tpu.memory_space<hbm>>, %arg5: memref<512xi32, #tpu.memory_space<vmem>>, %arg6: memref<512x128xf32, #tpu.memory_space<vmem>>, %arg7: memref<!tpu.dma_semaphore, #tpu.memory_space<semaphore_mem>>) attributes {dimension_semantics = [#tpu.dimension_semantics<core_parallel>, #tpu.dimension_semantics<subcore_parallel>], iteration_bounds = array<i64: 2, 16>, scalar_prefetch = 0 : i64, scratch_operands = 3 : i64, tpu.core_type = #tpu.core_type<sc_vector_subcore>, window_params = [{transform_indices = #map}, {transform_indices = #map1}, {transform_indices = #map1}]} {
    %mul3A = arith.constant 2 : i32
    %mul3A_0 = arith.muli %arg1, %mul3A : i32
    %add3A = arith.addi %mul3A_0, %arg0 : i32
    %mul3A_1 = arith.constant 512 : i32
    %mul3A_2 = arith.muli %add3A, %mul3A_1 : i32
    "tpu.region"() ({
      %run_scoped3A = tpu.sem_alloc : memref<!tpu.dma_semaphore, #tpu.memory_space<semaphore_mem>>
      %dma_start3A_382 = tpu.memref_slice %arg2[%mul3A_2] : memref<16384xi32, #tpu.memory_space<hbm>> -> memref<512xi32, #tpu.memory_space<hbm>>
      %dma_start3A_383 = tpu.memref_slice %arg2[%mul3A_2] : memref<16384xi32, #tpu.memory_space<hbm>> -> memref<512xi32, #tpu.memory_space<hbm>>
      tpu.enqueue_dma source(%dma_start3A_383 : memref<512xi32, #tpu.memory_space<hbm>>) target(%arg5 : memref<512xi32, #tpu.memory_space<vmem>>) target_semaphore(%run_scoped3A : memref<!tpu.dma_semaphore, #tpu.memory_space<semaphore_mem>>)
      %dma_wait3A_384 = tpu.memref_slice %arg2[%mul3A_2] : memref<16384xi32, #tpu.memory_space<hbm>> -> memref<512xi32, #tpu.memory_space<hbm>>
      %dma_wait3A_385 = tpu.memref_slice %arg2[%mul3A_2] : memref<16384xi32, #tpu.memory_space<hbm>> -> memref<512xi32, #tpu.memory_space<hbm>>
      tpu.wait_dma2 semaphore(%run_scoped3A : memref<!tpu.dma_semaphore, #tpu.memory_space<semaphore_mem>>) src(%dma_wait3A_385 : memref<512xi32, #tpu.memory_space<hbm>>) dst(%arg5 : memref<512xi32, #tpu.memory_space<vmem>>)
      tpu.yield
    }) : () -> ()
    %get3A = arith.constant 0 : index
    %get3A_3 = tpu.vector_load %arg5[%get3A] {strides = array<i32>} : memref<512xi32, #tpu.memory_space<vmem>>, vector<16xi32>,
    %get3A_4 = vector.shape_cast %get3A_3 : vector<16xi32> to vector<16xi32>
    %and3A = arith.constant 262143 : i32
    %and3A_5 = vector.broadcast %and3A : i32 to vector<16xi32>
    %and3A_6 = arith.andi %get3A_4, %and3A_5 : vector<16xi32>
    %swap3A = arith.constant 0 : index
    %swap3A_7 = tpu.vector_load %arg5[%swap3A] {strides = array<i32>} : memref<512xi32, #tpu.memory_space<vmem>>, vector<16xi32>,
    %swap3A_8 = vector.shape_cast %swap3A_7 : vector<16xi32> to vector<16xi32>
    %swap3A_9 = vector.shape_cast %and3A_6 : vector<16xi32> to vector<16xi32>
    tpu.vector_store %arg5[%swap3A], %swap3A_9 {strides = array<i32>} : memref<512xi32, #tpu.memory_space<vmem>>, vector<16xi32>,
    %get3A_10 = arith.constant 16 : index
    %get3A_11 = tpu.vector_load %arg5[%get3A_10] {strides = array<i32>} : memref<512xi32, #tpu.memory_space<vmem>>, vector<16xi32>,
    %get3A_12 = vector.shape_cast %get3A_11 : vector<16xi32> to vector<16xi32>
    %and3A_13 = arith.constant 262143 : i32
    %and3A_14 = vector.broadcast %and3A_13 : i32 to vector<16xi32>
    %and3A_15 = arith.andi %get3A_12, %and3A_14 : vector<16xi32>
    %swap3A_16 = arith.constant 16 : index
    %swap3A_17 = tpu.vector_load %arg5[%swap3A_16] {strides = array<i32>} : memref<512xi32, #tpu.memory_space<vmem>>, vector<16xi32>,
    %swap3A_18 = vector.shape_cast %swap3A_17 : vector<16xi32> to vector<16xi32>
    %swap3A_19 = vector.shape_cast %and3A_15 : vector<16xi32> to vector<16xi32>
    tpu.vector_store %arg5[%swap3A_16], %swap3A_19 {strides = array<i32>} : memref<512xi32, #tpu.memory_space<vmem>>, vector<16xi32>,
    %get3A_20 = arith.constant 32 : index
    %get3A_21 = tpu.vector_load %arg5[%get3A_20] {strides = array<i32>} : memref<512xi32, #tpu.memory_space<vmem>>, vector<16xi32>,
    %get3A_22 = vector.shape_cast %get3A_21 : vector<16xi32> to vector<16xi32>
    %and3A_23 = arith.constant 262143 : i32
    %and3A_24 = vector.broadcast %and3A_23 : i32 to vector<16xi32>
    %and3A_25 = arith.andi %get3A_22, %and3A_24 : vector<16xi32>
    %swap3A_26 = arith.constant 32 : index
    %swap3A_27 = tpu.vector_load %arg5[%swap3A_26] {strides = array<i32>} : memref<512xi32, #tpu.memory_space<vmem>>, vector<16xi32>,
    %swap3A_28 = vector.shape_cast %swap3A_27 : vector<16xi32> to vector<16xi32>
    %swap3A_29 = vector.shape_cast %and3A_25 : vector<16xi32> to vector<16xi32>
    tpu.vector_store %arg5[%swap3A_26], %swap3A_29 {strides = array<i32>} : memref<512xi32, #tpu.memory_space<vmem>>, vector<16xi32>,
    %get3A_30 = arith.constant 48 : index
    %get3A_31 = tpu.vector_load %arg5[%get3A_30] {strides = array<i32>} : memref<512xi32, #tpu.memory_space<vmem>>, vector<16xi32>,
    %get3A_32 = vector.shape_cast %get3A_31 : vector<16xi32> to vector<16xi32>
    %and3A_33 = arith.constant 262143 : i32
    %and3A_34 = vector.broadcast %and3A_33 : i32 to vector<16xi32>
    %and3A_35 = arith.andi %get3A_32, %and3A_34 : vector<16xi32>
    %swap3A_36 = arith.constant 48 : index
    %swap3A_37 = tpu.vector_load %arg5[%swap3A_36] {strides = array<i32>} : memref<512xi32, #tpu.memory_space<vmem>>, vector<16xi32>,
    %swap3A_38 = vector.shape_cast %swap3A_37 : vector<16xi32> to vector<16xi32>
    %swap3A_39 = vector.shape_cast %and3A_35 : vector<16xi32> to vector<16xi32>
    tpu.vector_store %arg5[%swap3A_36], %swap3A_39 {strides = array<i32>} : memref<512xi32, #tpu.memory_space<vmem>>, vector<16xi32>,
    %get3A_40 = arith.constant 64 : index
    %get3A_41 = tpu.vector_load %arg5[%get3A_40] {strides = array<i32>} : memref<512xi32, #tpu.memory_space<vmem>>, vector<16xi32>,
    %get3A_42 = vector.shape_cast %get3A_41 : vector<16xi32> to vector<16xi32>
    %and3A_43 = arith.constant 262143 : i32
    %and3A_44 = vector.broadcast %and3A_43 : i32 to vector<16xi32>
    %and3A_45 = arith.andi %get3A_42, %and3A_44 : vector<16xi32>
    %swap3A_46 = arith.constant 64 : index
    %swap3A_47 = tpu.vector_load %arg5[%swap3A_46] {strides = array<i32>} : memref<512xi32, #tpu.memory_space<vmem>>, vector<16xi32>,
    %swap3A_48 = vector.shape_cast %swap3A_47 : vector<16xi32> to vector<16xi32>
    %swap3A_49 = vector.shape_cast %and3A_45 : vector<16xi32> to vector<16xi32>
    tpu.vector_store %arg5[%swap3A_46], %swap3A_49 {strides = array<i32>} : memref<512xi32, #tpu.memory_space<vmem>>, vector<16xi32>,
    %get3A_50 = arith.constant 80 : index
    %get3A_51 = tpu.vector_load %arg5[%get3A_50] {strides = array<i32>} : memref<512xi32, #tpu.memory_space<vmem>>, vector<16xi32>,
    %get3A_52 = vector.shape_cast %get3A_51 : vector<16xi32> to vector<16xi32>
    %and3A_53 = arith.constant 262143 : i32
    %and3A_54 = vector.broadcast %and3A_53 : i32 to vector<16xi32>
    %and3A_55 = arith.andi %get3A_52, %and3A_54 : vector<16xi32>
    %swap3A_56 = arith.constant 80 : index
    %swap3A_57 = tpu.vector_load %arg5[%swap3A_56] {strides = array<i32>} : memref<512xi32, #tpu.memory_space<vmem>>, vector<16xi32>,
    %swap3A_58 = vector.shape_cast %swap3A_57 : vector<16xi32> to vector<16xi32>
    %swap3A_59 = vector.shape_cast %and3A_55 : vector<16xi32> to vector<16xi32>
    tpu.vector_store %arg5[%swap3A_56], %swap3A_59 {strides = array<i32>} : memref<512xi32, #tpu.memory_space<vmem>>, vector<16xi32>,
    %get3A_60 = arith.constant 96 : index
    %get3A_61 = tpu.vector_load %arg5[%get3A_60] {strides = array<i32>} : memref<512xi32, #tpu.memory_space<vmem>>, vector<16xi32>,
    %get3A_62 = vector.shape_cast %get3A_61 : vector<16xi32> to vector<16xi32>
    %and3A_63 = arith.constant 262143 : i32
    %and3A_64 = vector.broadcast %and3A_63 : i32 to vector<16xi32>
    %and3A_65 = arith.andi %get3A_62, %and3A_64 : vector<16xi32>
    %swap3A_66 = arith.constant 96 : index
    %swap3A_67 = tpu.vector_load %arg5[%swap3A_66] {strides = array<i32>} : memref<512xi32, #tpu.memory_space<vmem>>, vector<16xi32>,
    %swap3A_68 = vector.shape_cast %swap3A_67 : vector<16xi32> to vector<16xi32>
    %swap3A_69 = vector.shape_cast %and3A_65 : vector<16xi32> to vector<16xi32>
    tpu.vector_store %arg5[%swap3A_66], %swap3A_69 {strides = array<i32>} : memref<512xi32, #tpu.memory_space<vmem>>, vector<16xi32>,
    %get3A_70 = arith.constant 112 : index
    %get3A_71 = tpu.vector_load %arg5[%get3A_70] {strides = array<i32>} : memref<512xi32, #tpu.memory_space<vmem>>, vector<16xi32>,
    %get3A_72 = vector.shape_cast %get3A_71 : vector<16xi32> to vector<16xi32>
    %and3A_73 = arith.constant 262143 : i32
    %and3A_74 = vector.broadcast %and3A_73 : i32 to vector<16xi32>
    %and3A_75 = arith.andi %get3A_72, %and3A_74 : vector<16xi32>
    %swap3A_76 = arith.constant 112 : index
    %swap3A_77 = tpu.vector_load %arg5[%swap3A_76] {strides = array<i32>} : memref<512xi32, #tpu.memory_space<vmem>>, vector<16xi32>,
    %swap3A_78 = vector.shape_cast %swap3A_77 : vector<16xi32> to vector<16xi32>
    %swap3A_79 = vector.shape_cast %and3A_75 : vector<16xi32> to vector<16xi32>
    tpu.vector_store %arg5[%swap3A_76], %swap3A_79 {strides = array<i32>} : memref<512xi32, #tpu.memory_space<vmem>>, vector<16xi32>,
    %get3A_80 = arith.constant 128 : index
    %get3A_81 = tpu.vector_load %arg5[%get3A_80] {strides = array<i32>} : memref<512xi32, #tpu.memory_space<vmem>>, vector<16xi32>,
    %get3A_82 = vector.shape_cast %get3A_81 : vector<16xi32> to vector<16xi32>
    %and3A_83 = arith.constant 262143 : i32
    %and3A_84 = vector.broadcast %and3A_83 : i32 to vector<16xi32>
    %and3A_85 = arith.andi %get3A_82, %and3A_84 : vector<16xi32>
    %swap3A_86 = arith.constant 128 : index
    %swap3A_87 = tpu.vector_load %arg5[%swap3A_86] {strides = array<i32>} : memref<512xi32, #tpu.memory_space<vmem>>, vector<16xi32>,
    %swap3A_88 = vector.shape_cast %swap3A_87 : vector<16xi32> to vector<16xi32>
    %swap3A_89 = vector.shape_cast %and3A_85 : vector<16xi32> to vector<16xi32>
    tpu.vector_store %arg5[%swap3A_86], %swap3A_89 {strides = array<i32>} : memref<512xi32, #tpu.memory_space<vmem>>, vector<16xi32>,
    %get3A_90 = arith.constant 144 : index
    %get3A_91 = tpu.vector_load %arg5[%get3A_90] {strides = array<i32>} : memref<512xi32, #tpu.memory_space<vmem>>, vector<16xi32>,
    %get3A_92 = vector.shape_cast %get3A_91 : vector<16xi32> to vector<16xi32>
    %and3A_93 = arith.constant 262143 : i32
    %and3A_94 = vector.broadcast %and3A_93 : i32 to vector<16xi32>
    %and3A_95 = arith.andi %get3A_92, %and3A_94 : vector<16xi32>
    %swap3A_96 = arith.constant 144 : index
    %swap3A_97 = tpu.vector_load %arg5[%swap3A_96] {strides = array<i32>} : memref<512xi32, #tpu.memory_space<vmem>>, vector<16xi32>,
    %swap3A_98 = vector.shape_cast %swap3A_97 : vector<16xi32> to vector<16xi32>
    %swap3A_99 = vector.shape_cast %and3A_95 : vector<16xi32> to vector<16xi32>
    tpu.vector_store %arg5[%swap3A_96], %swap3A_99 {strides = array<i32>} : memref<512xi32, #tpu.memory_space<vmem>>, vector<16xi32>,
    %get3A_100 = arith.constant 160 : index
    %get3A_101 = tpu.vector_load %arg5[%get3A_100] {strides = array<i32>} : memref<512xi32, #tpu.memory_space<vmem>>, vector<16xi32>,
    %get3A_102 = vector.shape_cast %get3A_101 : vector<16xi32> to vector<16xi32>
    %and3A_103 = arith.constant 262143 : i32
    %and3A_104 = vector.broadcast %and3A_103 : i32 to vector<16xi32>
    %and3A_105 = arith.andi %get3A_102, %and3A_104 : vector<16xi32>
    %swap3A_106 = arith.constant 160 : index
    %swap3A_107 = tpu.vector_load %arg5[%swap3A_106] {strides = array<i32>} : memref<512xi32, #tpu.memory_space<vmem>>, vector<16xi32>,
    %swap3A_108 = vector.shape_cast %swap3A_107 : vector<16xi32> to vector<16xi32>
    %swap3A_109 = vector.shape_cast %and3A_105 : vector<16xi32> to vector<16xi32>
    tpu.vector_store %arg5[%swap3A_106], %swap3A_109 {strides = array<i32>} : memref<512xi32, #tpu.memory_space<vmem>>, vector<16xi32>,
    %get3A_110 = arith.constant 176 : index
    %get3A_111 = tpu.vector_load %arg5[%get3A_110] {strides = array<i32>} : memref<512xi32, #tpu.memory_space<vmem>>, vector<16xi32>,
    %get3A_112 = vector.shape_cast %get3A_111 : vector<16xi32> to vector<16xi32>
    %and3A_113 = arith.constant 262143 : i32
    %and3A_114 = vector.broadcast %and3A_113 : i32 to vector<16xi32>
    %and3A_115 = arith.andi %get3A_112, %and3A_114 : vector<16xi32>
    %swap3A_116 = arith.constant 176 : index
    %swap3A_117 = tpu.vector_load %arg5[%swap3A_116] {strides = array<i32>} : memref<512xi32, #tpu.memory_space<vmem>>, vector<16xi32>,
    %swap3A_118 = vector.shape_cast %swap3A_117 : vector<16xi32> to vector<16xi32>
    %swap3A_119 = vector.shape_cast %and3A_115 : vector<16xi32> to vector<16xi32>
    tpu.vector_store %arg5[%swap3A_116], %swap3A_119 {strides = array<i32>} : memref<512xi32, #tpu.memory_space<vmem>>, vector<16xi32>,
    %get3A_120 = arith.constant 192 : index
    %get3A_121 = tpu.vector_load %arg5[%get3A_120] {strides = array<i32>} : memref<512xi32, #tpu.memory_space<vmem>>, vector<16xi32>,
    %get3A_122 = vector.shape_cast %get3A_121 : vector<16xi32> to vector<16xi32>
    %and3A_123 = arith.constant 262143 : i32
    %and3A_124 = vector.broadcast %and3A_123 : i32 to vector<16xi32>
    %and3A_125 = arith.andi %get3A_122, %and3A_124 : vector<16xi32>
    %swap3A_126 = arith.constant 192 : index
    %swap3A_127 = tpu.vector_load %arg5[%swap3A_126] {strides = array<i32>} : memref<512xi32, #tpu.memory_space<vmem>>, vector<16xi32>,
    %swap3A_128 = vector.shape_cast %swap3A_127 : vector<16xi32> to vector<16xi32>
    %swap3A_129 = vector.shape_cast %and3A_125 : vector<16xi32> to vector<16xi32>
    tpu.vector_store %arg5[%swap3A_126], %swap3A_129 {strides = array<i32>} : memref<512xi32, #tpu.memory_space<vmem>>, vector<16xi32>,
    %get3A_130 = arith.constant 208 : index
    %get3A_131 = tpu.vector_load %arg5[%get3A_130] {strides = array<i32>} : memref<512xi32, #tpu.memory_space<vmem>>, vector<16xi32>,
    %get3A_132 = vector.shape_cast %get3A_131 : vector<16xi32> to vector<16xi32>
    %and3A_133 = arith.constant 262143 : i32
    %and3A_134 = vector.broadcast %and3A_133 : i32 to vector<16xi32>
    %and3A_135 = arith.andi %get3A_132, %and3A_134 : vector<16xi32>
    %swap3A_136 = arith.constant 208 : index
    %swap3A_137 = tpu.vector_load %arg5[%swap3A_136] {strides = array<i32>} : memref<512xi32, #tpu.memory_space<vmem>>, vector<16xi32>,
    %swap3A_138 = vector.shape_cast %swap3A_137 : vector<16xi32> to vector<16xi32>
    %swap3A_139 = vector.shape_cast %and3A_135 : vector<16xi32> to vector<16xi32>
    tpu.vector_store %arg5[%swap3A_136], %swap3A_139 {strides = array<i32>} : memref<512xi32, #tpu.memory_space<vmem>>, vector<16xi32>,
    %get3A_140 = arith.constant 224 : index
    %get3A_141 = tpu.vector_load %arg5[%get3A_140] {strides = array<i32>} : memref<512xi32, #tpu.memory_space<vmem>>, vector<16xi32>,
    %get3A_142 = vector.shape_cast %get3A_141 : vector<16xi32> to vector<16xi32>
    %and3A_143 = arith.constant 262143 : i32
    %and3A_144 = vector.broadcast %and3A_143 : i32 to vector<16xi32>
    %and3A_145 = arith.andi %get3A_142, %and3A_144 : vector<16xi32>
    %swap3A_146 = arith.constant 224 : index
    %swap3A_147 = tpu.vector_load %arg5[%swap3A_146] {strides = array<i32>} : memref<512xi32, #tpu.memory_space<vmem>>, vector<16xi32>,
    %swap3A_148 = vector.shape_cast %swap3A_147 : vector<16xi32> to vector<16xi32>
    %swap3A_149 = vector.shape_cast %and3A_145 : vector<16xi32> to vector<16xi32>
    tpu.vector_store %arg5[%swap3A_146], %swap3A_149 {strides = array<i32>} : memref<512xi32, #tpu.memory_space<vmem>>, vector<16xi32>,
    %get3A_150 = arith.constant 240 : index
    %get3A_151 = tpu.vector_load %arg5[%get3A_150] {strides = array<i32>} : memref<512xi32, #tpu.memory_space<vmem>>, vector<16xi32>,
    %get3A_152 = vector.shape_cast %get3A_151 : vector<16xi32> to vector<16xi32>
    %and3A_153 = arith.constant 262143 : i32
    %and3A_154 = vector.broadcast %and3A_153 : i32 to vector<16xi32>
    %and3A_155 = arith.andi %get3A_152, %and3A_154 : vector<16xi32>
    %swap3A_156 = arith.constant 240 : index
    %swap3A_157 = tpu.vector_load %arg5[%swap3A_156] {strides = array<i32>} : memref<512xi32, #tpu.memory_space<vmem>>, vector<16xi32>,
    %swap3A_158 = vector.shape_cast %swap3A_157 : vector<16xi32> to vector<16xi32>
    %swap3A_159 = vector.shape_cast %and3A_155 : vector<16xi32> to vector<16xi32>
    tpu.vector_store %arg5[%swap3A_156], %swap3A_159 {strides = array<i32>} : memref<512xi32, #tpu.memory_space<vmem>>, vector<16xi32>,
    %get3A_160 = arith.constant 256 : index
    %get3A_161 = tpu.vector_load %arg5[%get3A_160] {strides = array<i32>} : memref<512xi32, #tpu.memory_space<vmem>>, vector<16xi32>,
    %get3A_162 = vector.shape_cast %get3A_161 : vector<16xi32> to vector<16xi32>
    %and3A_163 = arith.constant 262143 : i32
    %and3A_164 = vector.broadcast %and3A_163 : i32 to vector<16xi32>
    %and3A_165 = arith.andi %get3A_162, %and3A_164 : vector<16xi32>
    %swap3A_166 = arith.constant 256 : index
    %swap3A_167 = tpu.vector_load %arg5[%swap3A_166] {strides = array<i32>} : memref<512xi32, #tpu.memory_space<vmem>>, vector<16xi32>,
    %swap3A_168 = vector.shape_cast %swap3A_167 : vector<16xi32> to vector<16xi32>
    %swap3A_169 = vector.shape_cast %and3A_165 : vector<16xi32> to vector<16xi32>
    tpu.vector_store %arg5[%swap3A_166], %swap3A_169 {strides = array<i32>} : memref<512xi32, #tpu.memory_space<vmem>>, vector<16xi32>,
    %get3A_170 = arith.constant 272 : index
    %get3A_171 = tpu.vector_load %arg5[%get3A_170] {strides = array<i32>} : memref<512xi32, #tpu.memory_space<vmem>>, vector<16xi32>,
    %get3A_172 = vector.shape_cast %get3A_171 : vector<16xi32> to vector<16xi32>
    %and3A_173 = arith.constant 262143 : i32
    %and3A_174 = vector.broadcast %and3A_173 : i32 to vector<16xi32>
    %and3A_175 = arith.andi %get3A_172, %and3A_174 : vector<16xi32>
    %swap3A_176 = arith.constant 272 : index
    %swap3A_177 = tpu.vector_load %arg5[%swap3A_176] {strides = array<i32>} : memref<512xi32, #tpu.memory_space<vmem>>, vector<16xi32>,
    %swap3A_178 = vector.shape_cast %swap3A_177 : vector<16xi32> to vector<16xi32>
    %swap3A_179 = vector.shape_cast %and3A_175 : vector<16xi32> to vector<16xi32>
    tpu.vector_store %arg5[%swap3A_176], %swap3A_179 {strides = array<i32>} : memref<512xi32, #tpu.memory_space<vmem>>, vector<16xi32>,
    %get3A_180 = arith.constant 288 : index
    %get3A_181 = tpu.vector_load %arg5[%get3A_180] {strides = array<i32>} : memref<512xi32, #tpu.memory_space<vmem>>, vector<16xi32>,
    %get3A_182 = vector.shape_cast %get3A_181 : vector<16xi32> to vector<16xi32>
    %and3A_183 = arith.constant 262143 : i32
    %and3A_184 = vector.broadcast %and3A_183 : i32 to vector<16xi32>
    %and3A_185 = arith.andi %get3A_182, %and3A_184 : vector<16xi32>
    %swap3A_186 = arith.constant 288 : index
    %swap3A_187 = tpu.vector_load %arg5[%swap3A_186] {strides = array<i32>} : memref<512xi32, #tpu.memory_space<vmem>>, vector<16xi32>,
    %swap3A_188 = vector.shape_cast %swap3A_187 : vector<16xi32> to vector<16xi32>
    %swap3A_189 = vector.shape_cast %and3A_185 : vector<16xi32> to vector<16xi32>
    tpu.vector_store %arg5[%swap3A_186], %swap3A_189 {strides = array<i32>} : memref<512xi32, #tpu.memory_space<vmem>>, vector<16xi32>,
    %get3A_190 = arith.constant 304 : index
    %get3A_191 = tpu.vector_load %arg5[%get3A_190] {strides = array<i32>} : memref<512xi32, #tpu.memory_space<vmem>>, vector<16xi32>,
    %get3A_192 = vector.shape_cast %get3A_191 : vector<16xi32> to vector<16xi32>
    %and3A_193 = arith.constant 262143 : i32
    %and3A_194 = vector.broadcast %and3A_193 : i32 to vector<16xi32>
    %and3A_195 = arith.andi %get3A_192, %and3A_194 : vector<16xi32>
    %swap3A_196 = arith.constant 304 : index
    %swap3A_197 = tpu.vector_load %arg5[%swap3A_196] {strides = array<i32>} : memref<512xi32, #tpu.memory_space<vmem>>, vector<16xi32>,
    %swap3A_198 = vector.shape_cast %swap3A_197 : vector<16xi32> to vector<16xi32>
    %swap3A_199 = vector.shape_cast %and3A_195 : vector<16xi32> to vector<16xi32>
    tpu.vector_store %arg5[%swap3A_196], %swap3A_199 {strides = array<i32>} : memref<512xi32, #tpu.memory_space<vmem>>, vector<16xi32>,
    %get3A_200 = arith.constant 320 : index
    %get3A_201 = tpu.vector_load %arg5[%get3A_200] {strides = array<i32>} : memref<512xi32, #tpu.memory_space<vmem>>, vector<16xi32>,
    %get3A_202 = vector.shape_cast %get3A_201 : vector<16xi32> to vector<16xi32>
    %and3A_203 = arith.constant 262143 : i32
    %and3A_204 = vector.broadcast %and3A_203 : i32 to vector<16xi32>
    %and3A_205 = arith.andi %get3A_202, %and3A_204 : vector<16xi32>
    %swap3A_206 = arith.constant 320 : index
    %swap3A_207 = tpu.vector_load %arg5[%swap3A_206] {strides = array<i32>} : memref<512xi32, #tpu.memory_space<vmem>>, vector<16xi32>,
    %swap3A_208 = vector.shape_cast %swap3A_207 : vector<16xi32> to vector<16xi32>
    %swap3A_209 = vector.shape_cast %and3A_205 : vector<16xi32> to vector<16xi32>
    tpu.vector_store %arg5[%swap3A_206], %swap3A_209 {strides = array<i32>} : memref<512xi32, #tpu.memory_space<vmem>>, vector<16xi32>,
    %get3A_210 = arith.constant 336 : index
    %get3A_211 = tpu.vector_load %arg5[%get3A_210] {strides = array<i32>} : memref<512xi32, #tpu.memory_space<vmem>>, vector<16xi32>,
    %get3A_212 = vector.shape_cast %get3A_211 : vector<16xi32> to vector<16xi32>
    %and3A_213 = arith.constant 262143 : i32
    %and3A_214 = vector.broadcast %and3A_213 : i32 to vector<16xi32>
    %and3A_215 = arith.andi %get3A_212, %and3A_214 : vector<16xi32>
    %swap3A_216 = arith.constant 336 : index
    %swap3A_217 = tpu.vector_load %arg5[%swap3A_216] {strides = array<i32>} : memref<512xi32, #tpu.memory_space<vmem>>, vector<16xi32>,
    %swap3A_218 = vector.shape_cast %swap3A_217 : vector<16xi32> to vector<16xi32>
    %swap3A_219 = vector.shape_cast %and3A_215 : vector<16xi32> to vector<16xi32>
    tpu.vector_store %arg5[%swap3A_216], %swap3A_219 {strides = array<i32>} : memref<512xi32, #tpu.memory_space<vmem>>, vector<16xi32>,
    %get3A_220 = arith.constant 352 : index
    %get3A_221 = tpu.vector_load %arg5[%get3A_220] {strides = array<i32>} : memref<512xi32, #tpu.memory_space<vmem>>, vector<16xi32>,
    %get3A_222 = vector.shape_cast %get3A_221 : vector<16xi32> to vector<16xi32>
    %and3A_223 = arith.constant 262143 : i32
    %and3A_224 = vector.broadcast %and3A_223 : i32 to vector<16xi32>
    %and3A_225 = arith.andi %get3A_222, %and3A_224 : vector<16xi32>
    %swap3A_226 = arith.constant 352 : index
    %swap3A_227 = tpu.vector_load %arg5[%swap3A_226] {strides = array<i32>} : memref<512xi32, #tpu.memory_space<vmem>>, vector<16xi32>,
    %swap3A_228 = vector.shape_cast %swap3A_227 : vector<16xi32> to vector<16xi32>
    %swap3A_229 = vector.shape_cast %and3A_225 : vector<16xi32> to vector<16xi32>
    tpu.vector_store %arg5[%swap3A_226], %swap3A_229 {strides = array<i32>} : memref<512xi32, #tpu.memory_space<vmem>>, vector<16xi32>,
    %get3A_230 = arith.constant 368 : index
    %get3A_231 = tpu.vector_load %arg5[%get3A_230] {strides = array<i32>} : memref<512xi32, #tpu.memory_space<vmem>>, vector<16xi32>,
    %get3A_232 = vector.shape_cast %get3A_231 : vector<16xi32> to vector<16xi32>
    %and3A_233 = arith.constant 262143 : i32
    %and3A_234 = vector.broadcast %and3A_233 : i32 to vector<16xi32>
    %and3A_235 = arith.andi %get3A_232, %and3A_234 : vector<16xi32>
    %swap3A_236 = arith.constant 368 : index
    %swap3A_237 = tpu.vector_load %arg5[%swap3A_236] {strides = array<i32>} : memref<512xi32, #tpu.memory_space<vmem>>, vector<16xi32>,
    %swap3A_238 = vector.shape_cast %swap3A_237 : vector<16xi32> to vector<16xi32>
    %swap3A_239 = vector.shape_cast %and3A_235 : vector<16xi32> to vector<16xi32>
    tpu.vector_store %arg5[%swap3A_236], %swap3A_239 {strides = array<i32>} : memref<512xi32, #tpu.memory_space<vmem>>, vector<16xi32>,
    %get3A_240 = arith.constant 384 : index
    %get3A_241 = tpu.vector_load %arg5[%get3A_240] {strides = array<i32>} : memref<512xi32, #tpu.memory_space<vmem>>, vector<16xi32>,
    %get3A_242 = vector.shape_cast %get3A_241 : vector<16xi32> to vector<16xi32>
    %and3A_243 = arith.constant 262143 : i32
    %and3A_244 = vector.broadcast %and3A_243 : i32 to vector<16xi32>
    %and3A_245 = arith.andi %get3A_242, %and3A_244 : vector<16xi32>
    %swap3A_246 = arith.constant 384 : index
    %swap3A_247 = tpu.vector_load %arg5[%swap3A_246] {strides = array<i32>} : memref<512xi32, #tpu.memory_space<vmem>>, vector<16xi32>,
    %swap3A_248 = vector.shape_cast %swap3A_247 : vector<16xi32> to vector<16xi32>
    %swap3A_249 = vector.shape_cast %and3A_245 : vector<16xi32> to vector<16xi32>
    tpu.vector_store %arg5[%swap3A_246], %swap3A_249 {strides = array<i32>} : memref<512xi32, #tpu.memory_space<vmem>>, vector<16xi32>,
    %get3A_250 = arith.constant 400 : index
    %get3A_251 = tpu.vector_load %arg5[%get3A_250] {strides = array<i32>} : memref<512xi32, #tpu.memory_space<vmem>>, vector<16xi32>,
    %get3A_252 = vector.shape_cast %get3A_251 : vector<16xi32> to vector<16xi32>
    %and3A_253 = arith.constant 262143 : i32
    %and3A_254 = vector.broadcast %and3A_253 : i32 to vector<16xi32>
    %and3A_255 = arith.andi %get3A_252, %and3A_254 : vector<16xi32>
    %swap3A_256 = arith.constant 400 : index
    %swap3A_257 = tpu.vector_load %arg5[%swap3A_256] {strides = array<i32>} : memref<512xi32, #tpu.memory_space<vmem>>, vector<16xi32>,
    %swap3A_258 = vector.shape_cast %swap3A_257 : vector<16xi32> to vector<16xi32>
    %swap3A_259 = vector.shape_cast %and3A_255 : vector<16xi32> to vector<16xi32>
    tpu.vector_store %arg5[%swap3A_256], %swap3A_259 {strides = array<i32>} : memref<512xi32, #tpu.memory_space<vmem>>, vector<16xi32>,
    %get3A_260 = arith.constant 416 : index
    %get3A_261 = tpu.vector_load %arg5[%get3A_260] {strides = array<i32>} : memref<512xi32, #tpu.memory_space<vmem>>, vector<16xi32>,
    %get3A_262 = vector.shape_cast %get3A_261 : vector<16xi32> to vector<16xi32>
    %and3A_263 = arith.constant 262143 : i32
    %and3A_264 = vector.broadcast %and3A_263 : i32 to vector<16xi32>
    %and3A_265 = arith.andi %get3A_262, %and3A_264 : vector<16xi32>
    %swap3A_266 = arith.constant 416 : index
    %swap3A_267 = tpu.vector_load %arg5[%swap3A_266] {strides = array<i32>} : memref<512xi32, #tpu.memory_space<vmem>>, vector<16xi32>,
    %swap3A_268 = vector.shape_cast %swap3A_267 : vector<16xi32> to vector<16xi32>
    %swap3A_269 = vector.shape_cast %and3A_265 : vector<16xi32> to vector<16xi32>
    tpu.vector_store %arg5[%swap3A_266], %swap3A_269 {strides = array<i32>} : memref<512xi32, #tpu.memory_space<vmem>>, vector<16xi32>,
    %get3A_270 = arith.constant 432 : index
    %get3A_271 = tpu.vector_load %arg5[%get3A_270] {strides = array<i32>} : memref<512xi32, #tpu.memory_space<vmem>>, vector<16xi32>,
    %get3A_272 = vector.shape_cast %get3A_271 : vector<16xi32> to vector<16xi32>
    %and3A_273 = arith.constant 262143 : i32
    %and3A_274 = vector.broadcast %and3A_273 : i32 to vector<16xi32>
    %and3A_275 = arith.andi %get3A_272, %and3A_274 : vector<16xi32>
    %swap3A_276 = arith.constant 432 : index
    %swap3A_277 = tpu.vector_load %arg5[%swap3A_276] {strides = array<i32>} : memref<512xi32, #tpu.memory_space<vmem>>, vector<16xi32>,
    %swap3A_278 = vector.shape_cast %swap3A_277 : vector<16xi32> to vector<16xi32>
    %swap3A_279 = vector.shape_cast %and3A_275 : vector<16xi32> to vector<16xi32>
    tpu.vector_store %arg5[%swap3A_276], %swap3A_279 {strides = array<i32>} : memref<512xi32, #tpu.memory_space<vmem>>, vector<16xi32>,
    %get3A_280 = arith.constant 448 : index
    %get3A_281 = tpu.vector_load %arg5[%get3A_280] {strides = array<i32>} : memref<512xi32, #tpu.memory_space<vmem>>, vector<16xi32>,
    %get3A_282 = vector.shape_cast %get3A_281 : vector<16xi32> to vector<16xi32>
    %and3A_283 = arith.constant 262143 : i32
    %and3A_284 = vector.broadcast %and3A_283 : i32 to vector<16xi32>
    %and3A_285 = arith.andi %get3A_282, %and3A_284 : vector<16xi32>
    %swap3A_286 = arith.constant 448 : index
    %swap3A_287 = tpu.vector_load %arg5[%swap3A_286] {strides = array<i32>} : memref<512xi32, #tpu.memory_space<vmem>>, vector<16xi32>,
    %swap3A_288 = vector.shape_cast %swap3A_287 : vector<16xi32> to vector<16xi32>
    %swap3A_289 = vector.shape_cast %and3A_285 : vector<16xi32> to vector<16xi32>
    tpu.vector_store %arg5[%swap3A_286], %swap3A_289 {strides = array<i32>} : memref<512xi32, #tpu.memory_space<vmem>>, vector<16xi32>,
    %get3A_290 = arith.constant 464 : index
    %get3A_291 = tpu.vector_load %arg5[%get3A_290] {strides = array<i32>} : memref<512xi32, #tpu.memory_space<vmem>>, vector<16xi32>,
    %get3A_292 = vector.shape_cast %get3A_291 : vector<16xi32> to vector<16xi32>
    %and3A_293 = arith.constant 262143 : i32
    %and3A_294 = vector.broadcast %and3A_293 : i32 to vector<16xi32>
    %and3A_295 = arith.andi %get3A_292, %and3A_294 : vector<16xi32>
    %swap3A_296 = arith.constant 464 : index
    %swap3A_297 = tpu.vector_load %arg5[%swap3A_296] {strides = array<i32>} : memref<512xi32, #tpu.memory_space<vmem>>, vector<16xi32>,
    %swap3A_298 = vector.shape_cast %swap3A_297 : vector<16xi32> to vector<16xi32>
    %swap3A_299 = vector.shape_cast %and3A_295 : vector<16xi32> to vector<16xi32>
    tpu.vector_store %arg5[%swap3A_296], %swap3A_299 {strides = array<i32>} : memref<512xi32, #tpu.memory_space<vmem>>, vector<16xi32>,
    %get3A_300 = arith.constant 480 : index
    %get3A_301 = tpu.vector_load %arg5[%get3A_300] {strides = array<i32>} : memref<512xi32, #tpu.memory_space<vmem>>, vector<16xi32>,
    %get3A_302 = vector.shape_cast %get3A_301 : vector<16xi32> to vector<16xi32>
    %and3A_303 = arith.constant 262143 : i32
    %and3A_304 = vector.broadcast %and3A_303 : i32 to vector<16xi32>
    %and3A_305 = arith.andi %get3A_302, %and3A_304 : vector<16xi32>
    %swap3A_306 = arith.constant 480 : index
    %swap3A_307 = tpu.vector_load %arg5[%swap3A_306] {strides = array<i32>} : memref<512xi32, #tpu.memory_space<vmem>>, vector<16xi32>,
    %swap3A_308 = vector.shape_cast %swap3A_307 : vector<16xi32> to vector<16xi32>
    %swap3A_309 = vector.shape_cast %and3A_305 : vector<16xi32> to vector<16xi32>
    tpu.vector_store %arg5[%swap3A_306], %swap3A_309 {strides = array<i32>} : memref<512xi32, #tpu.memory_space<vmem>>, vector<16xi32>,
    %get3A_310 = arith.constant 496 : index
    %get3A_311 = tpu.vector_load %arg5[%get3A_310] {strides = array<i32>} : memref<512xi32, #tpu.memory_space<vmem>>, vector<16xi32>,
    %get3A_312 = vector.shape_cast %get3A_311 : vector<16xi32> to vector<16xi32>
    %and3A_313 = arith.constant 262143 : i32
    %and3A_314 = vector.broadcast %and3A_313 : i32 to vector<16xi32>
    %and3A_315 = arith.andi %get3A_312, %and3A_314 : vector<16xi32>
    %swap3A_316 = arith.constant 496 : index
    %swap3A_317 = tpu.vector_load %arg5[%swap3A_316] {strides = array<i32>} : memref<512xi32, #tpu.memory_space<vmem>>, vector<16xi32>,
    %swap3A_318 = vector.shape_cast %swap3A_317 : vector<16xi32> to vector<16xi32>
    %swap3A_319 = vector.shape_cast %and3A_315 : vector<16xi32> to vector<16xi32>
    tpu.vector_store %arg5[%swap3A_316], %swap3A_319 {strides = array<i32>} : memref<512xi32, #tpu.memory_space<vmem>>, vector<16xi32>,
    %dma_start3A = arith.constant 0 : i32
    %dma_start3A_320 = arith.constant 0 : i32
    %dma_start3A_321 = tpu.memref_slice %arg6[%dma_start3A, %dma_start3A_320] : memref<512x128xf32, #tpu.memory_space<vmem>> -> memref<128x128xf32, #tpu.memory_space<vmem>>
    %dma_start3A_322 = arith.constant 0 : i32
    %dma_start3A_323 = tpu.memref_slice %arg5[%dma_start3A_322] : memref<512xi32, #tpu.memory_space<vmem>> -> memref<128xi32, #tpu.memory_space<vmem>>
    %dma_start3A_324 = arith.constant 0 : i32
    %dma_start3A_325 = arith.constant 0 : i32
    %dma_start3A_326 = tpu.memref_slice %arg3[%dma_start3A_324, %dma_start3A_325] : memref<262144x128xf32, #tpu.memory_space<hbm>> -> memref<262144x128xf32, #tpu.memory_space<hbm>>
    tpu.enqueue_indirect_dma source(%dma_start3A_326 : memref<262144x128xf32, #tpu.memory_space<hbm>>) target(%dma_start3A_321 : memref<128x128xf32, #tpu.memory_space<vmem>>) offsets(%dma_start3A_323 : memref<128xi32, #tpu.memory_space<vmem>>) semaphore(%arg7 : memref<!tpu.dma_semaphore, #tpu.memory_space<semaphore_mem>>)
    %dma_start3A_327 = arith.constant 128 : i32
    %dma_start3A_328 = arith.constant 0 : i32
    %dma_start3A_329 = tpu.memref_slice %arg6[%dma_start3A_327, %dma_start3A_328] : memref<512x128xf32, #tpu.memory_space<vmem>> -> memref<128x128xf32, #tpu.memory_space<vmem>>
    %dma_start3A_330 = arith.constant 128 : i32
    %dma_start3A_331 = tpu.memref_slice %arg5[%dma_start3A_330] : memref<512xi32, #tpu.memory_space<vmem>> -> memref<128xi32, #tpu.memory_space<vmem>>
    %dma_start3A_332 = arith.constant 0 : i32
    %dma_start3A_333 = arith.constant 0 : i32
    %dma_start3A_334 = tpu.memref_slice %arg3[%dma_start3A_332, %dma_start3A_333] : memref<262144x128xf32, #tpu.memory_space<hbm>> -> memref<262144x128xf32, #tpu.memory_space<hbm>>
    tpu.enqueue_indirect_dma source(%dma_start3A_334 : memref<262144x128xf32, #tpu.memory_space<hbm>>) target(%dma_start3A_329 : memref<128x128xf32, #tpu.memory_space<vmem>>) offsets(%dma_start3A_331 : memref<128xi32, #tpu.memory_space<vmem>>) semaphore(%arg7 : memref<!tpu.dma_semaphore, #tpu.memory_space<semaphore_mem>>)
    %dma_start3A_335 = arith.constant 256 : i32
    %dma_start3A_336 = arith.constant 0 : i32
    %dma_start3A_337 = tpu.memref_slice %arg6[%dma_start3A_335, %dma_start3A_336] : memref<512x128xf32, #tpu.memory_space<vmem>> -> memref<128x128xf32, #tpu.memory_space<vmem>>
    %dma_start3A_338 = arith.constant 256 : i32
    %dma_start3A_339 = tpu.memref_slice %arg5[%dma_start3A_338] : memref<512xi32, #tpu.memory_space<vmem>> -> memref<128xi32, #tpu.memory_space<vmem>>
    %dma_start3A_340 = arith.constant 0 : i32
    %dma_start3A_341 = arith.constant 0 : i32
    %dma_start3A_342 = tpu.memref_slice %arg3[%dma_start3A_340, %dma_start3A_341] : memref<262144x128xf32, #tpu.memory_space<hbm>> -> memref<262144x128xf32, #tpu.memory_space<hbm>>
    tpu.enqueue_indirect_dma source(%dma_start3A_342 : memref<262144x128xf32, #tpu.memory_space<hbm>>) target(%dma_start3A_337 : memref<128x128xf32, #tpu.memory_space<vmem>>) offsets(%dma_start3A_339 : memref<128xi32, #tpu.memory_space<vmem>>) semaphore(%arg7 : memref<!tpu.dma_semaphore, #tpu.memory_space<semaphore_mem>>)
    %dma_start3A_343 = arith.constant 384 : i32
    %dma_start3A_344 = arith.constant 0 : i32
    %dma_start3A_345 = tpu.memref_slice %arg6[%dma_start3A_343, %dma_start3A_344] : memref<512x128xf32, #tpu.memory_space<vmem>> -> memref<128x128xf32, #tpu.memory_space<vmem>>
    %dma_start3A_346 = arith.constant 384 : i32
    %dma_start3A_347 = tpu.memref_slice %arg5[%dma_start3A_346] : memref<512xi32, #tpu.memory_space<vmem>> -> memref<128xi32, #tpu.memory_space<vmem>>
    %dma_start3A_348 = arith.constant 0 : i32
    %dma_start3A_349 = arith.constant 0 : i32
    %dma_start3A_350 = tpu.memref_slice %arg3[%dma_start3A_348, %dma_start3A_349] : memref<262144x128xf32, #tpu.memory_space<hbm>> -> memref<262144x128xf32, #tpu.memory_space<hbm>>
    tpu.enqueue_indirect_dma source(%dma_start3A_350 : memref<262144x128xf32, #tpu.memory_space<hbm>>) target(%dma_start3A_345 : memref<128x128xf32, #tpu.memory_space<vmem>>) offsets(%dma_start3A_347 : memref<128xi32, #tpu.memory_space<vmem>>) semaphore(%arg7 : memref<!tpu.dma_semaphore, #tpu.memory_space<semaphore_mem>>)
    %dma_wait3A = arith.constant 0 : i32
    %dma_wait3A_351 = arith.constant 0 : i32
    %dma_wait3A_352 = tpu.memref_slice %arg6[%dma_wait3A, %dma_wait3A_351] : memref<512x128xf32, #tpu.memory_space<vmem>> -> memref<128x128xf32, #tpu.memory_space<vmem>>
    %dma_wait3A_353 = arith.constant 0 : i32
    %dma_wait3A_354 = tpu.memref_slice %arg5[%dma_wait3A_353] : memref<512xi32, #tpu.memory_space<vmem>> -> memref<128xi32, #tpu.memory_space<vmem>>
    %dma_wait3A_355 = arith.constant 0 : i32
    %dma_wait3A_356 = arith.constant 0 : i32
    %dma_wait3A_357 = tpu.memref_slice %arg3[%dma_wait3A_355, %dma_wait3A_356] : memref<262144x128xf32, #tpu.memory_space<hbm>> -> memref<262144x128xf32, #tpu.memory_space<hbm>>
    tpu.wait_indirect_dma semaphore(%arg7 : memref<!tpu.dma_semaphore, #tpu.memory_space<semaphore_mem>>) src(%dma_wait3A_357 : memref<262144x128xf32, #tpu.memory_space<hbm>>) dst(%dma_wait3A_352 : memref<128x128xf32, #tpu.memory_space<vmem>>)
    %dma_wait3A_358 = arith.constant 128 : i32
    %dma_wait3A_359 = arith.constant 0 : i32
    %dma_wait3A_360 = tpu.memref_slice %arg6[%dma_wait3A_358, %dma_wait3A_359] : memref<512x128xf32, #tpu.memory_space<vmem>> -> memref<128x128xf32, #tpu.memory_space<vmem>>
    %dma_wait3A_361 = arith.constant 128 : i32
    %dma_wait3A_362 = tpu.memref_slice %arg5[%dma_wait3A_361] : memref<512xi32, #tpu.memory_space<vmem>> -> memref<128xi32, #tpu.memory_space<vmem>>
    %dma_wait3A_363 = arith.constant 0 : i32
    %dma_wait3A_364 = arith.constant 0 : i32
    %dma_wait3A_365 = tpu.memref_slice %arg3[%dma_wait3A_363, %dma_wait3A_364] : memref<262144x128xf32, #tpu.memory_space<hbm>> -> memref<262144x128xf32, #tpu.memory_space<hbm>>
    tpu.wait_indirect_dma semaphore(%arg7 : memref<!tpu.dma_semaphore, #tpu.memory_space<semaphore_mem>>) src(%dma_wait3A_365 : memref<262144x128xf32, #tpu.memory_space<hbm>>) dst(%dma_wait3A_360 : memref<128x128xf32, #tpu.memory_space<vmem>>)
    %dma_wait3A_366 = arith.constant 256 : i32
    %dma_wait3A_367 = arith.constant 0 : i32
    %dma_wait3A_368 = tpu.memref_slice %arg6[%dma_wait3A_366, %dma_wait3A_367] : memref<512x128xf32, #tpu.memory_space<vmem>> -> memref<128x128xf32, #tpu.memory_space<vmem>>
    %dma_wait3A_369 = arith.constant 256 : i32
    %dma_wait3A_370 = tpu.memref_slice %arg5[%dma_wait3A_369] : memref<512xi32, #tpu.memory_space<vmem>> -> memref<128xi32, #tpu.memory_space<vmem>>
    %dma_wait3A_371 = arith.constant 0 : i32
    %dma_wait3A_372 = arith.constant 0 : i32
    %dma_wait3A_373 = tpu.memref_slice %arg3[%dma_wait3A_371, %dma_wait3A_372] : memref<262144x128xf32, #tpu.memory_space<hbm>> -> memref<262144x128xf32, #tpu.memory_space<hbm>>
    tpu.wait_indirect_dma semaphore(%arg7 : memref<!tpu.dma_semaphore, #tpu.memory_space<semaphore_mem>>) src(%dma_wait3A_373 : memref<262144x128xf32, #tpu.memory_space<hbm>>) dst(%dma_wait3A_368 : memref<128x128xf32, #tpu.memory_space<vmem>>)
    %dma_wait3A_374 = arith.constant 384 : i32
    %dma_wait3A_375 = arith.constant 0 : i32
    %dma_wait3A_376 = tpu.memref_slice %arg6[%dma_wait3A_374, %dma_wait3A_375] : memref<512x128xf32, #tpu.memory_space<vmem>> -> memref<128x128xf32, #tpu.memory_space<vmem>>
    %dma_wait3A_377 = arith.constant 384 : i32
    %dma_wait3A_378 = tpu.memref_slice %arg5[%dma_wait3A_377] : memref<512xi32, #tpu.memory_space<vmem>> -> memref<128xi32, #tpu.memory_space<vmem>>
    %dma_wait3A_379 = arith.constant 0 : i32
    %dma_wait3A_380 = arith.constant 0 : i32
    %dma_wait3A_381 = tpu.memref_slice %arg3[%dma_wait3A_379, %dma_wait3A_380] : memref<262144x128xf32, #tpu.memory_space<hbm>> -> memref<262144x128xf32, #tpu.memory_space<hbm>>
    tpu.wait_indirect_dma semaphore(%arg7 : memref<!tpu.dma_semaphore, #tpu.memory_space<semaphore_mem>>) src(%dma_wait3A_381 : memref<262144x128xf32, #tpu.memory_space<hbm>>) dst(%dma_wait3A_376 : memref<128x128xf32, #tpu.memory_space<vmem>>)
    "tpu.region"() ({
      %run_scoped3A = tpu.sem_alloc : memref<!tpu.dma_semaphore, #tpu.memory_space<semaphore_mem>>
      %dma_start3A_382 = arith.constant 0 : i32
      %dma_start3A_383 = tpu.memref_slice %arg4[%mul3A_2, %dma_start3A_382] : memref<16384x128xf32, #tpu.memory_space<hbm>> -> memref<512x128xf32, #tpu.memory_space<hbm>>
      %dma_start3A_384 = arith.constant 0 : i32
      %dma_start3A_385 = tpu.memref_slice %arg4[%mul3A_2, %dma_start3A_384] : memref<16384x128xf32, #tpu.memory_space<hbm>> -> memref<512x128xf32, #tpu.memory_space<hbm>>
      tpu.enqueue_dma source(%arg6 : memref<512x128xf32, #tpu.memory_space<vmem>>) target(%dma_start3A_385 : memref<512x128xf32, #tpu.memory_space<hbm>>) target_semaphore(%run_scoped3A : memref<!tpu.dma_semaphore, #tpu.memory_space<semaphore_mem>>)
      %dma_wait3A_386 = arith.constant 0 : i32
      %dma_wait3A_387 = tpu.memref_slice %arg4[%mul3A_2, %dma_wait3A_386] : memref<16384x128xf32, #tpu.memory_space<hbm>> -> memref<512x128xf32, #tpu.memory_space<hbm>>
      %dma_wait3A_388 = arith.constant 0 : i32
      %dma_wait3A_389 = tpu.memref_slice %arg4[%mul3A_2, %dma_wait3A_388] : memref<16384x128xf32, #tpu.memory_space<hbm>> -> memref<512x128xf32, #tpu.memory_space<hbm>>
      tpu.wait_dma2 semaphore(%run_scoped3A : memref<!tpu.dma_semaphore, #tpu.memory_space<semaphore_mem>>) src(%arg6 : memref<512x128xf32, #tpu.memory_space<vmem>>) dst(%dma_wait3A_389 : memref<512x128xf32, #tpu.memory_space<hbm>>)
      tpu.yield
    }) : () -> ()
    return
  }
}

module attributes {stable_mosaic.version = 14 : i64} {
  func.func @_quad_body(%arg0: i32, %arg1: memref<64x2048xf32, #tpu.memory_space<vmem>>, %arg2: memref<64x2048xf32, #tpu.memory_space<vmem>>, %arg3: memref<64x2048xf32, #tpu.memory_space<vmem>>, %arg4: memref<64x2048xf32, #tpu.memory_space<vmem>>, %arg5: memref<32x64xf32, #tpu.memory_space<vmem>>, %arg6: memref<2048x128xf32, #tpu.memory_space<vmem>>) attributes {dimension_semantics = [#tpu.dimension_semantics<arbitrary>], iteration_bounds = array<i64: 16>, scalar_prefetch = 0 : i64, scratch_operands = 0 : i64, tpu.core_type = #tpu.core_type<tc>, window_params = [{transform_indices = @transform_0, window_bounds = array<i64: 64, 2048>}, {transform_indices = @transform_1, window_bounds = array<i64: 64, 2048>}, {transform_indices = @transform_2, window_bounds = array<i64: 64, 2048>}, {transform_indices = @transform_3, window_bounds = array<i64: 64, 2048>}, {pipeline_mode = #tpu.pipeline_mode<synchronous>, transform_indices = @transform_4, window_bounds = array<i64: 32, 64>}, {transform_indices = @transform_5, window_bounds = array<i64: 2048, 128>}]} {
    %get3A = arith.constant 0 : index
    %get3A_0 = arith.constant 0 : index
    %get3A_1 = vector.load %arg5[%get3A, %get3A_0] : memref<32x64xf32, #tpu.memory_space<vmem>>, vector<32x64xf32>
    %get3A_2 = arith.constant 0 : index
    %get3A_3 = arith.constant 0 : index
    %get3A_4 = vector.load %arg1[%get3A_2, %get3A_3] : memref<64x2048xf32, #tpu.memory_space<vmem>>, vector<64x2048xf32>
    %logistic3A = arith.negf %get3A_4 : vector<64x2048xf32>
    %logistic3A_5 = math.exp %logistic3A : vector<64x2048xf32>
    %logistic3A_6 = arith.constant 1.000000e+00 : f32
    %logistic3A_7 = vector.broadcast %logistic3A_6 : f32 to vector<64x2048xf32>
    %logistic3A_8 = arith.addf %logistic3A_7, %logistic3A_5 : vector<64x2048xf32>
    %logistic3A_9 = arith.divf %logistic3A_7, %logistic3A_8 : vector<64x2048xf32>
    %dot_general3A = arith.constant dense<0.000000e+00> : vector<32x2048xf32>
    %dot_general3A_10 = tpu.matmul %get3A_1, %logistic3A_9, %dot_general3A {dimension_numbers = #tpu.dot_dimension_numbers<[1], [0], [0], [1], [0, 0, 1, 1], [], []>, transpose_lhs_hint = false} : vector<32x64xf32>, vector<64x2048xf32>, vector<32x2048xf32> -> vector<32x2048xf32>
    %get3A_11 = arith.constant 0 : index
    %get3A_12 = arith.constant 0 : index
    %get3A_13 = vector.load %arg2[%get3A_11, %get3A_12] : memref<64x2048xf32, #tpu.memory_space<vmem>>, vector<64x2048xf32>
    %logistic3A_14 = arith.negf %get3A_13 : vector<64x2048xf32>
    %logistic3A_15 = math.exp %logistic3A_14 : vector<64x2048xf32>
    %logistic3A_16 = arith.constant 1.000000e+00 : f32
    %logistic3A_17 = vector.broadcast %logistic3A_16 : f32 to vector<64x2048xf32>
    %logistic3A_18 = arith.addf %logistic3A_17, %logistic3A_15 : vector<64x2048xf32>
    %logistic3A_19 = arith.divf %logistic3A_17, %logistic3A_18 : vector<64x2048xf32>
    %dot_general3A_20 = arith.constant dense<0.000000e+00> : vector<32x2048xf32>
    %dot_general3A_21 = tpu.matmul %get3A_1, %logistic3A_19, %dot_general3A_20 {dimension_numbers = #tpu.dot_dimension_numbers<[1], [0], [0], [1], [0, 0, 1, 1], [], []>, transpose_lhs_hint = false} : vector<32x64xf32>, vector<64x2048xf32>, vector<32x2048xf32> -> vector<32x2048xf32>
    %get3A_22 = arith.constant 0 : index
    %get3A_23 = arith.constant 0 : index
    %get3A_24 = vector.load %arg3[%get3A_22, %get3A_23] : memref<64x2048xf32, #tpu.memory_space<vmem>>, vector<64x2048xf32>
    %logistic3A_25 = arith.negf %get3A_24 : vector<64x2048xf32>
    %logistic3A_26 = math.exp %logistic3A_25 : vector<64x2048xf32>
    %logistic3A_27 = arith.constant 1.000000e+00 : f32
    %logistic3A_28 = vector.broadcast %logistic3A_27 : f32 to vector<64x2048xf32>
    %logistic3A_29 = arith.addf %logistic3A_28, %logistic3A_26 : vector<64x2048xf32>
    %logistic3A_30 = arith.divf %logistic3A_28, %logistic3A_29 : vector<64x2048xf32>
    %dot_general3A_31 = arith.constant dense<0.000000e+00> : vector<32x2048xf32>
    %dot_general3A_32 = tpu.matmul %get3A_1, %logistic3A_30, %dot_general3A_31 {dimension_numbers = #tpu.dot_dimension_numbers<[1], [0], [0], [1], [0, 0, 1, 1], [], []>, transpose_lhs_hint = false} : vector<32x64xf32>, vector<64x2048xf32>, vector<32x2048xf32> -> vector<32x2048xf32>
    %get3A_33 = arith.constant 0 : index
    %get3A_34 = arith.constant 0 : index
    %get3A_35 = vector.load %arg4[%get3A_33, %get3A_34] : memref<64x2048xf32, #tpu.memory_space<vmem>>, vector<64x2048xf32>
    %logistic3A_36 = arith.negf %get3A_35 : vector<64x2048xf32>
    %logistic3A_37 = math.exp %logistic3A_36 : vector<64x2048xf32>
    %logistic3A_38 = arith.constant 1.000000e+00 : f32
    %logistic3A_39 = vector.broadcast %logistic3A_38 : f32 to vector<64x2048xf32>
    %logistic3A_40 = arith.addf %logistic3A_39, %logistic3A_37 : vector<64x2048xf32>
    %logistic3A_41 = arith.divf %logistic3A_39, %logistic3A_40 : vector<64x2048xf32>
    %dot_general3A_42 = arith.constant dense<0.000000e+00> : vector<32x2048xf32>
    %dot_general3A_43 = tpu.matmul %get3A_1, %logistic3A_41, %dot_general3A_42 {dimension_numbers = #tpu.dot_dimension_numbers<[1], [0], [0], [1], [0, 0, 1, 1], [], []>, transpose_lhs_hint = false} : vector<32x64xf32>, vector<64x2048xf32>, vector<32x2048xf32> -> vector<32x2048xf32>
    %concatenate3A = tpu.concatenate %dot_general3A_10, %dot_general3A_21, %dot_general3A_32, %dot_general3A_43 in 0 : vector<32x2048xf32>, vector<32x2048xf32>, vector<32x2048xf32>, vector<32x2048xf32> -> vector<128x2048xf32>
    %transpose3A = tpu.transpose %concatenate3A, [1, 0] : vector<128x2048xf32> -> vector<2048x128xf32>
    %swap3A = arith.constant 0 : index
    %swap3A_44 = arith.constant 0 : index
    %swap3A_45 = vector.load %arg6[%swap3A, %swap3A_44] : memref<2048x128xf32, #tpu.memory_space<vmem>>, vector<2048x128xf32>
    tpu.vector_store %arg6[%swap3A, %swap3A_44], %transpose3A {strides = array<i32>} : memref<2048x128xf32, #tpu.memory_space<vmem>>, vector<2048x128xf32>,
    return
  }
  func.func @transform_0(%arg0: i32) -> (i32, i32) {
    %add3A = arith.constant 0 : i32
    %add3A_0 = arith.addi %arg0, %add3A : i32
    %min3A = arith.constant 48 : i32
    %min3A_1 = arith.minsi %add3A_0, %min3A : i32
    %c0_i32 = arith.constant 0 : i32
    %c0_i32_2 = arith.constant 0 : i32
    return %c0_i32, %min3A_1 : i32, i32
  }
  func.func @transform_1(%arg0: i32) -> (i32, i32) {
    %add3A = arith.constant 16 : i32
    %add3A_0 = arith.addi %arg0, %add3A : i32
    %min3A = arith.constant 48 : i32
    %min3A_1 = arith.minsi %add3A_0, %min3A : i32
    %c0_i32 = arith.constant 0 : i32
    %c0_i32_2 = arith.constant 0 : i32
    return %c0_i32, %min3A_1 : i32, i32
  }
  func.func @transform_2(%arg0: i32) -> (i32, i32) {
    %add3A = arith.constant 32 : i32
    %add3A_0 = arith.addi %arg0, %add3A : i32
    %min3A = arith.constant 48 : i32
    %min3A_1 = arith.minsi %add3A_0, %min3A : i32
    %c0_i32 = arith.constant 0 : i32
    %c0_i32_2 = arith.constant 0 : i32
    return %c0_i32, %min3A_1 : i32, i32
  }
  func.func @transform_3(%arg0: i32) -> (i32, i32) {
    %add3A = arith.constant 48 : i32
    %add3A_0 = arith.addi %arg0, %add3A : i32
    %min3A = arith.constant 48 : i32
    %min3A_1 = arith.minsi %add3A_0, %min3A : i32
    %c0_i32 = arith.constant 0 : i32
    %c0_i32_2 = arith.constant 0 : i32
    return %c0_i32, %min3A_1 : i32, i32
  }
  func.func @transform_4(%arg0: i32) -> (i32, i32) {
    %c0_i32 = arith.constant 0 : i32
    %c0_i32_0 = arith.constant 0 : i32
    %c0_i32_1 = arith.constant 0 : i32
    return %c0_i32, %c0_i32_0 : i32, i32
  }
  func.func @transform_5(%arg0: i32) -> (i32, i32) {
    %c0_i32 = arith.constant 0 : i32
    %c0_i32_0 = arith.constant 0 : i32
    return %arg0, %c0_i32 : i32, i32
  }
}

module attributes {stable_mosaic.version = 14 : i64} {
  func.func @_quad_body(%arg0: i32, %arg1: memref<64x2048xf32, #tpu.memory_space<vmem>>, %arg2: memref<64x2048xf32, #tpu.memory_space<vmem>>, %arg3: memref<64x2048xf32, #tpu.memory_space<vmem>>, %arg4: memref<64x2048xf32, #tpu.memory_space<vmem>>, %arg5: memref<32x64xf32, #tpu.memory_space<vmem>>, %arg6: memref<2048x128xf32, #tpu.memory_space<vmem>>) attributes {dimension_semantics = [#tpu.dimension_semantics<arbitrary>], iteration_bounds = array<i64: 128>, scalar_prefetch = 0 : i64, scratch_operands = 0 : i64, tpu.core_type = #tpu.core_type<tc>, window_params = [{transform_indices = @transform_0, window_bounds = array<i64: 64, 2048>}, {transform_indices = @transform_1, window_bounds = array<i64: 64, 2048>}, {transform_indices = @transform_2, window_bounds = array<i64: 64, 2048>}, {transform_indices = @transform_3, window_bounds = array<i64: 64, 2048>}, {pipeline_mode = #tpu.pipeline_mode<synchronous>, transform_indices = @transform_4, window_bounds = array<i64: 32, 64>}, {transform_indices = @transform_5, window_bounds = array<i64: 2048, 128>}]} {
    %get3A = arith.constant 0 : index
    %get3A_0 = arith.constant 0 : index
    %get3A_1 = vector.load %arg5[%get3A, %get3A_0] : memref<32x64xf32, #tpu.memory_space<vmem>>, vector<32x64xf32>
    %get3A_2 = arith.constant 0 : index
    %get3A_3 = arith.constant 0 : index
    %get3A_4 = vector.load %arg1[%get3A_2, %get3A_3] : memref<64x2048xf32, #tpu.memory_space<vmem>>, vector<64x2048xf32>
    %logistic3A = arith.negf %get3A_4 : vector<64x2048xf32>
    %logistic3A_5 = math.exp %logistic3A : vector<64x2048xf32>
    %logistic3A_6 = arith.constant 1.000000e+00 : f32
    %logistic3A_7 = vector.broadcast %logistic3A_6 : f32 to vector<64x2048xf32>
    %logistic3A_8 = arith.addf %logistic3A_7, %logistic3A_5 : vector<64x2048xf32>
    %logistic3A_9 = arith.divf %logistic3A_7, %logistic3A_8 : vector<64x2048xf32>
    %dot_general3A = arith.constant dense<0.000000e+00> : vector<32x2048xf32>
    %dot_general3A_10 = tpu.matmul %get3A_1, %logistic3A_9, %dot_general3A {dimension_numbers = #tpu.dot_dimension_numbers<[1], [0], [0], [1], [0, 0, 1, 1], [], []>, transpose_lhs_hint = false} : vector<32x64xf32>, vector<64x2048xf32>, vector<32x2048xf32> -> vector<32x2048xf32>
    %get3A_11 = arith.constant 0 : index
    %get3A_12 = arith.constant 0 : index
    %get3A_13 = vector.load %arg2[%get3A_11, %get3A_12] : memref<64x2048xf32, #tpu.memory_space<vmem>>, vector<64x2048xf32>
    %logistic3A_14 = arith.negf %get3A_13 : vector<64x2048xf32>
    %logistic3A_15 = math.exp %logistic3A_14 : vector<64x2048xf32>
    %logistic3A_16 = arith.constant 1.000000e+00 : f32
    %logistic3A_17 = vector.broadcast %logistic3A_16 : f32 to vector<64x2048xf32>
    %logistic3A_18 = arith.addf %logistic3A_17, %logistic3A_15 : vector<64x2048xf32>
    %logistic3A_19 = arith.divf %logistic3A_17, %logistic3A_18 : vector<64x2048xf32>
    %dot_general3A_20 = arith.constant dense<0.000000e+00> : vector<32x2048xf32>
    %dot_general3A_21 = tpu.matmul %get3A_1, %logistic3A_19, %dot_general3A_20 {dimension_numbers = #tpu.dot_dimension_numbers<[1], [0], [0], [1], [0, 0, 1, 1], [], []>, transpose_lhs_hint = false} : vector<32x64xf32>, vector<64x2048xf32>, vector<32x2048xf32> -> vector<32x2048xf32>
    %get3A_22 = arith.constant 0 : index
    %get3A_23 = arith.constant 0 : index
    %get3A_24 = vector.load %arg3[%get3A_22, %get3A_23] : memref<64x2048xf32, #tpu.memory_space<vmem>>, vector<64x2048xf32>
    %logistic3A_25 = arith.negf %get3A_24 : vector<64x2048xf32>
    %logistic3A_26 = math.exp %logistic3A_25 : vector<64x2048xf32>
    %logistic3A_27 = arith.constant 1.000000e+00 : f32
    %logistic3A_28 = vector.broadcast %logistic3A_27 : f32 to vector<64x2048xf32>
    %logistic3A_29 = arith.addf %logistic3A_28, %logistic3A_26 : vector<64x2048xf32>
    %logistic3A_30 = arith.divf %logistic3A_28, %logistic3A_29 : vector<64x2048xf32>
    %dot_general3A_31 = arith.constant dense<0.000000e+00> : vector<32x2048xf32>
    %dot_general3A_32 = tpu.matmul %get3A_1, %logistic3A_30, %dot_general3A_31 {dimension_numbers = #tpu.dot_dimension_numbers<[1], [0], [0], [1], [0, 0, 1, 1], [], []>, transpose_lhs_hint = false} : vector<32x64xf32>, vector<64x2048xf32>, vector<32x2048xf32> -> vector<32x2048xf32>
    %get3A_33 = arith.constant 0 : index
    %get3A_34 = arith.constant 0 : index
    %get3A_35 = vector.load %arg4[%get3A_33, %get3A_34] : memref<64x2048xf32, #tpu.memory_space<vmem>>, vector<64x2048xf32>
    %logistic3A_36 = arith.negf %get3A_35 : vector<64x2048xf32>
    %logistic3A_37 = math.exp %logistic3A_36 : vector<64x2048xf32>
    %logistic3A_38 = arith.constant 1.000000e+00 : f32
    %logistic3A_39 = vector.broadcast %logistic3A_38 : f32 to vector<64x2048xf32>
    %logistic3A_40 = arith.addf %logistic3A_39, %logistic3A_37 : vector<64x2048xf32>
    %logistic3A_41 = arith.divf %logistic3A_39, %logistic3A_40 : vector<64x2048xf32>
    %dot_general3A_42 = arith.constant dense<0.000000e+00> : vector<32x2048xf32>
    %dot_general3A_43 = tpu.matmul %get3A_1, %logistic3A_41, %dot_general3A_42 {dimension_numbers = #tpu.dot_dimension_numbers<[1], [0], [0], [1], [0, 0, 1, 1], [], []>, transpose_lhs_hint = false} : vector<32x64xf32>, vector<64x2048xf32>, vector<32x2048xf32> -> vector<32x2048xf32>
    %concatenate3A = tpu.concatenate %dot_general3A_10, %dot_general3A_21, %dot_general3A_32, %dot_general3A_43 in 0 : vector<32x2048xf32>, vector<32x2048xf32>, vector<32x2048xf32>, vector<32x2048xf32> -> vector<128x2048xf32>
    %transpose3A = tpu.transpose %concatenate3A, [1, 0] : vector<128x2048xf32> -> vector<2048x128xf32>
    %swap3A = arith.constant 0 : index
    %swap3A_44 = arith.constant 0 : index
    %swap3A_45 = vector.load %arg6[%swap3A, %swap3A_44] : memref<2048x128xf32, #tpu.memory_space<vmem>>, vector<2048x128xf32>
    tpu.vector_store %arg6[%swap3A, %swap3A_44], %transpose3A {strides = array<i32>} : memref<2048x128xf32, #tpu.memory_space<vmem>>, vector<2048x128xf32>,
    return
  }
  func.func @transform_0(%arg0: i32) -> (i32, i32) {
    %add3A = arith.constant 0 : i32
    %add3A_0 = arith.addi %arg0, %add3A : i32
    %min3A = arith.constant 488 : i32
    %min3A_1 = arith.minsi %add3A_0, %min3A : i32
    %c0_i32 = arith.constant 0 : i32
    %c0_i32_2 = arith.constant 0 : i32
    return %c0_i32, %min3A_1 : i32, i32
  }
  func.func @transform_1(%arg0: i32) -> (i32, i32) {
    %add3A = arith.constant 128 : i32
    %add3A_0 = arith.addi %arg0, %add3A : i32
    %min3A = arith.constant 488 : i32
    %min3A_1 = arith.minsi %add3A_0, %min3A : i32
    %c0_i32 = arith.constant 0 : i32
    %c0_i32_2 = arith.constant 0 : i32
    return %c0_i32, %min3A_1 : i32, i32
  }
  func.func @transform_2(%arg0: i32) -> (i32, i32) {
    %add3A = arith.constant 256 : i32
    %add3A_0 = arith.addi %arg0, %add3A : i32
    %min3A = arith.constant 488 : i32
    %min3A_1 = arith.minsi %add3A_0, %min3A : i32
    %c0_i32 = arith.constant 0 : i32
    %c0_i32_2 = arith.constant 0 : i32
    return %c0_i32, %min3A_1 : i32, i32
  }
  func.func @transform_3(%arg0: i32) -> (i32, i32) {
    %add3A = arith.constant 384 : i32
    %add3A_0 = arith.addi %arg0, %add3A : i32
    %min3A = arith.constant 488 : i32
    %min3A_1 = arith.minsi %add3A_0, %min3A : i32
    %c0_i32 = arith.constant 0 : i32
    %c0_i32_2 = arith.constant 0 : i32
    return %c0_i32, %min3A_1 : i32, i32
  }
  func.func @transform_4(%arg0: i32) -> (i32, i32) {
    %c0_i32 = arith.constant 0 : i32
    %c0_i32_0 = arith.constant 0 : i32
    %c0_i32_1 = arith.constant 0 : i32
    return %c0_i32, %c0_i32_0 : i32, i32
  }
  func.func @transform_5(%arg0: i32) -> (i32, i32) {
    %c0_i32 = arith.constant 0 : i32
    %c0_i32_0 = arith.constant 0 : i32
    return %arg0, %c0_i32 : i32, i32
  }
}

module attributes {stable_mosaic.version = 14 : i64} {
  func.func @_tc_body(%arg0: i32, %arg1: memref<4096x128xf32, #tpu.memory_space<vmem>>, %arg2: memref<4096x128xf32, #tpu.memory_space<vmem>>, %arg3: memref<4096x1xf32, #tpu.memory_space<vmem>>, %arg4: memref<4096x1xf32, #tpu.memory_space<vmem>>, %arg5: memref<1x32xf32, #tpu.memory_space<vmem>>, %arg6: memref<4096x30xf32, #tpu.memory_space<vmem>>) attributes {dimension_semantics = [#tpu.dimension_semantics<arbitrary>], iteration_bounds = array<i64: 4>, scalar_prefetch = 0 : i64, scratch_operands = 0 : i64, tpu.core_type = #tpu.core_type<tc>, window_params = [{transform_indices = @transform_0, window_bounds = array<i64: 4096, 128>}, {transform_indices = @transform_1, window_bounds = array<i64: 4096, 128>}, {transform_indices = @transform_2, window_bounds = array<i64: 4096, 1>}, {transform_indices = @transform_3, window_bounds = array<i64: 4096, 1>}, {pipeline_mode = #tpu.pipeline_mode<synchronous>, transform_indices = @transform_4, window_bounds = array<i64: 1, 32>}, {transform_indices = @transform_5, window_bounds = array<i64: 4096, 30>}]} {
    %get3A = arith.constant 0 : index
    %get3A_0 = arith.constant 0 : index
    %get3A_1 = vector.load %arg1[%get3A, %get3A_0] : memref<4096x128xf32, #tpu.memory_space<vmem>>, vector<4096x128xf32>
    %get3A_2 = arith.constant 0 : index
    %get3A_3 = arith.constant 0 : index
    %get3A_4 = vector.load %arg3[%get3A_2, %get3A_3] : memref<4096x1xf32, #tpu.memory_space<vmem>>, vector<4096x1xf32>
    %lt3A = arith.constant 1.500000e+00 : f32
    %lt3A_5 = vector.broadcast %lt3A : f32 to vector<4096x1xf32>
    %lt3A_6 = arith.cmpf olt, %get3A_4, %lt3A_5 : vector<4096x1xf32>
    %lt3A_7 = arith.constant 5.000000e-01 : f32
    %lt3A_8 = vector.broadcast %lt3A_7 : f32 to vector<4096x1xf32>
    %lt3A_9 = arith.cmpf olt, %get3A_4, %lt3A_8 : vector<4096x1xf32>
    %slice3A = vector.extract_strided_slice %get3A_1 {offsets = [0, 0], sizes = [4096, 32], strides = [1, 1]} : vector<4096x128xf32> to vector<4096x32xf32>
    %slice3A_10 = vector.extract_strided_slice %get3A_1 {offsets = [0, 32], sizes = [4096, 32], strides = [1, 1]} : vector<4096x128xf32> to vector<4096x32xf32>
    %broadcast_in_dim3A = vector.shape_cast %lt3A_9 : vector<4096x1xi1> to vector<4096x1xi1>
    %broadcast_in_dim3A_11 = vector.broadcast %broadcast_in_dim3A : vector<4096x1xi1> to vector<4096x32xi1>
    %select_n3A = arith.select %broadcast_in_dim3A_11, %slice3A, %slice3A_10 : vector<4096x32xi1>, vector<4096x32xf32>
    %lt3A_12 = arith.constant 2.500000e+00 : f32
    %lt3A_13 = vector.broadcast %lt3A_12 : f32 to vector<4096x1xf32>
    %lt3A_14 = arith.cmpf olt, %get3A_4, %lt3A_13 : vector<4096x1xf32>
    %slice3A_15 = vector.extract_strided_slice %get3A_1 {offsets = [0, 64], sizes = [4096, 32], strides = [1, 1]} : vector<4096x128xf32> to vector<4096x32xf32>
    %slice3A_16 = vector.extract_strided_slice %get3A_1 {offsets = [0, 96], sizes = [4096, 32], strides = [1, 1]} : vector<4096x128xf32> to vector<4096x32xf32>
    %broadcast_in_dim3A_17 = vector.shape_cast %lt3A_14 : vector<4096x1xi1> to vector<4096x1xi1>
    %broadcast_in_dim3A_18 = vector.broadcast %broadcast_in_dim3A_17 : vector<4096x1xi1> to vector<4096x32xi1>
    %select_n3A_19 = arith.select %broadcast_in_dim3A_18, %slice3A_15, %slice3A_16 : vector<4096x32xi1>, vector<4096x32xf32>
    %broadcast_in_dim3A_20 = vector.shape_cast %lt3A_6 : vector<4096x1xi1> to vector<4096x1xi1>
    %broadcast_in_dim3A_21 = vector.broadcast %broadcast_in_dim3A_20 : vector<4096x1xi1> to vector<4096x32xi1>
    %select_n3A_22 = arith.select %broadcast_in_dim3A_21, %select_n3A, %select_n3A_19 : vector<4096x32xi1>, vector<4096x32xf32>
    %get3A_23 = arith.constant 0 : index
    %get3A_24 = arith.constant 0 : index
    %get3A_25 = vector.load %arg2[%get3A_23, %get3A_24] : memref<4096x128xf32, #tpu.memory_space<vmem>>, vector<4096x128xf32>
    %get3A_26 = arith.constant 0 : index
    %get3A_27 = arith.constant 0 : index
    %get3A_28 = vector.load %arg4[%get3A_26, %get3A_27] : memref<4096x1xf32, #tpu.memory_space<vmem>>, vector<4096x1xf32>
    %lt3A_29 = arith.constant 1.500000e+00 : f32
    %lt3A_30 = vector.broadcast %lt3A_29 : f32 to vector<4096x1xf32>
    %lt3A_31 = arith.cmpf olt, %get3A_28, %lt3A_30 : vector<4096x1xf32>
    %lt3A_32 = arith.constant 5.000000e-01 : f32
    %lt3A_33 = vector.broadcast %lt3A_32 : f32 to vector<4096x1xf32>
    %lt3A_34 = arith.cmpf olt, %get3A_28, %lt3A_33 : vector<4096x1xf32>
    %slice3A_35 = vector.extract_strided_slice %get3A_25 {offsets = [0, 0], sizes = [4096, 32], strides = [1, 1]} : vector<4096x128xf32> to vector<4096x32xf32>
    %slice3A_36 = vector.extract_strided_slice %get3A_25 {offsets = [0, 32], sizes = [4096, 32], strides = [1, 1]} : vector<4096x128xf32> to vector<4096x32xf32>
    %broadcast_in_dim3A_37 = vector.shape_cast %lt3A_34 : vector<4096x1xi1> to vector<4096x1xi1>
    %broadcast_in_dim3A_38 = vector.broadcast %broadcast_in_dim3A_37 : vector<4096x1xi1> to vector<4096x32xi1>
    %select_n3A_39 = arith.select %broadcast_in_dim3A_38, %slice3A_35, %slice3A_36 : vector<4096x32xi1>, vector<4096x32xf32>
    %lt3A_40 = arith.constant 2.500000e+00 : f32
    %lt3A_41 = vector.broadcast %lt3A_40 : f32 to vector<4096x1xf32>
    %lt3A_42 = arith.cmpf olt, %get3A_28, %lt3A_41 : vector<4096x1xf32>
    %slice3A_43 = vector.extract_strided_slice %get3A_25 {offsets = [0, 64], sizes = [4096, 32], strides = [1, 1]} : vector<4096x128xf32> to vector<4096x32xf32>
    %slice3A_44 = vector.extract_strided_slice %get3A_25 {offsets = [0, 96], sizes = [4096, 32], strides = [1, 1]} : vector<4096x128xf32> to vector<4096x32xf32>
    %broadcast_in_dim3A_45 = vector.shape_cast %lt3A_42 : vector<4096x1xi1> to vector<4096x1xi1>
    %broadcast_in_dim3A_46 = vector.broadcast %broadcast_in_dim3A_45 : vector<4096x1xi1> to vector<4096x32xi1>
    %select_n3A_47 = arith.select %broadcast_in_dim3A_46, %slice3A_43, %slice3A_44 : vector<4096x32xi1>, vector<4096x32xf32>
    %broadcast_in_dim3A_48 = vector.shape_cast %lt3A_31 : vector<4096x1xi1> to vector<4096x1xi1>
    %broadcast_in_dim3A_49 = vector.broadcast %broadcast_in_dim3A_48 : vector<4096x1xi1> to vector<4096x32xi1>
    %select_n3A_50 = arith.select %broadcast_in_dim3A_49, %select_n3A_39, %select_n3A_47 : vector<4096x32xi1>, vector<4096x32xf32>
    %add3A = arith.addf %select_n3A_22, %select_n3A_50 : vector<4096x32xf32>
    %get3A_51 = arith.constant 0 : index
    %get3A_52 = arith.constant 0 : index
    %get3A_53 = vector.load %arg5[%get3A_51, %get3A_52] : memref<1x32xf32, #tpu.memory_space<vmem>>, vector<1x32xf32>
    %add3A_54 = vector.broadcast %get3A_53 : vector<1x32xf32> to vector<4096x32xf32>
    %add3A_55 = arith.addf %add3A, %add3A_54 : vector<4096x32xf32>
    %slice3A_56 = vector.extract_strided_slice %add3A_55 {offsets = [0, 0], sizes = [4096, 30], strides = [1, 1]} : vector<4096x32xf32> to vector<4096x30xf32>
    %swap3A = arith.constant 0 : index
    %swap3A_57 = arith.constant 0 : index
    %swap3A_58 = vector.load %arg6[%swap3A, %swap3A_57] : memref<4096x30xf32, #tpu.memory_space<vmem>>, vector<4096x30xf32>
    tpu.vector_store %arg6[%swap3A, %swap3A_57], %slice3A_56 {strides = array<i32>} : memref<4096x30xf32, #tpu.memory_space<vmem>>, vector<4096x30xf32>,
    return
  }
  func.func @transform_0(%arg0: i32) -> (i32, i32) {
    %c0_i32 = arith.constant 0 : i32
    %c0_i32_0 = arith.constant 0 : i32
    return %arg0, %c0_i32 : i32, i32
  }
  func.func @transform_1(%arg0: i32) -> (i32, i32) {
    %c0_i32 = arith.constant 0 : i32
    %c0_i32_0 = arith.constant 0 : i32
    return %arg0, %c0_i32 : i32, i32
  }
  func.func @transform_2(%arg0: i32) -> (i32, i32) {
    %c0_i32 = arith.constant 0 : i32
    %c0_i32_0 = arith.constant 0 : i32
    return %arg0, %c0_i32 : i32, i32
  }
  func.func @transform_3(%arg0: i32) -> (i32, i32) {
    %c0_i32 = arith.constant 0 : i32
    %c0_i32_0 = arith.constant 0 : i32
    return %arg0, %c0_i32 : i32, i32
  }
  func.func @transform_4(%arg0: i32) -> (i32, i32) {
    %c0_i32 = arith.constant 0 : i32
    %c0_i32_0 = arith.constant 0 : i32
    %c0_i32_1 = arith.constant 0 : i32
    return %c0_i32, %c0_i32_0 : i32, i32
  }
  func.func @transform_5(%arg0: i32) -> (i32, i32) {
    %c0_i32 = arith.constant 0 : i32
    %c0_i32_0 = arith.constant 0 : i32
    return %arg0, %c0_i32 : i32, i32
  }
}

</mosaic_0001>

<sc_bundles>
// kernel: kernel.10.cloned.1.call-start
scs
__scs_entry_jumppad:
0x0: {  	(pc) =	sbr.rel $0x88, $3  }
0x1: {  	(tag) =	ssettag $0x0;
	lr =	simm.s32 $0x1  }
0x2: {  	[smem:$0x3F9B] =	sst lr;
	_ =	strace $0xD0000000  }
0x3: {  	_ = 	snop  }
0x4: {  	_ = 	snop  }
0x5: {  	_ = 	snop  }
0x6: {  	_ = 	snop  }
0x7: {  	_ = 	snop  }
__scs_overlays_trampoline_lowered:
0x8: {  	[smem:$0x3FAA] =	sst s0  }
0x9: {  	[smem:$0x3FAB] =	sst s1  }
0xa: {  	[smem:$0x3FAC] =	sst s2  }
0xb: {  	[smem:$0x3FAD] =	sst s3  }
0xc: {  	[smem:$0x3FAE] =	sst s4  }
0xd: {  	[smem:$0x3FAF] =	sst s5  }
0xe: {  	[smem:$0x3FB0] =	sst s6  }
0xf: {  	[smem:$0x3FB1] =	sst s7  }
0x10: {  	[smem:$0x3FB2] =	sst s8  }
0x11: {  	[smem:$0x3FB3] =	sst s9;
	s0 =	simm.s32 @!p0 $0x0  }
0x12: {  	s1 =	sld [smem:$0x3F99];
	s0 =	simm.s32 @p0 $0x1  }
0x13: {  	[smem:$0x3FB4] =	sst s0;
	s0 =	simm.s32 @!p1 $0x0  }
0x14: {  	s2 =	sld [smem:$0x3F98];
	s0 =	simm.s32 @p1 $0x1  }
0x15: {  	[smem:$0x3FB5] =	sst s0;
	s0 =	simm.s32 @!p2 $0x0  }
0x16: {  	s3 =	sld [smem:$0x3FDB];
	s0 =	simm.s32 @p2 $0x1  }
0x17: {  	s4 =	simm.s32 $0x1BF5;
	[smem:$0x3FB7] =	sst s0  }
0x18: {  	s0 =	sld [smem:$0x3F9A];
	_ =	swait.ge [sflag:s4], $0x0  }
0x19: {  	s7 =	sld [smem:$0x3F9B]  }
0x1a: {  	s8 =	sadd.s32 $0xFFFFE003, lr  }
0x1b: {  	s9 =	sadd.s32 $0xFFFFFEF7, lr;
	s5 =	simm.s32 $0xFFFFFFFF;
	p2 =	slt.u32 s8, $0xFFFFF086  }
0x1c: {  	p1 =	slt.u32 s9, $0xF7A;
	s5 =	simm.s32 @!p2 $0x0  }
0x1d: {  	s5 =	simm.s32 @p1 $0x1;
	p0 =	seq.s32 s7, s2  }
0x1e: {  	s7 =	smul.u32 @!p0 $0xF7A, s2;
	p2 =	seq.s32 @!p0 s5, $0x0  }
0x1f: {  	s9 =	smul.u32 $0xF7A, s1;
	s8 =	simm.s32 @!p0 $0x1BF5;
	p2 =	por !p2, p0  }
0x20: {  	[sflag:s8] =	ssyncset.s32 @!p0 $0xFFFFF086;
	s6 =	sadd.s32 @!p0 s3, s7;
	s7 =	simm.s32 @!p0 $0x108  }
0x21: {  	s3 =	sadd.s32 s3, s9;
	s6 =	sadd.s32 @!p0 $0x88, s6;
	s7 =	simm.s32 @p2 $0x1082  }
0x22: {  	[simem:s7], [sflag:s8] =	dma.local @!p0 [hbm:s6], $0xF7A  }
0x23: {  	s9 =	sor.u32 $0xD0000000, s2;
	s6 =	simm.s32 $0x108;
	_ =	swait.ge @!p0 [sflag:s8], $0x0  }
0x24: {  	s3 =	sadd.s32 $0x88, s3;
	s6 =	simm.s32 @!p1 $0x1082;
	[sflag:s4] =	ssyncset.s32 $0xFFFFF086  }
0x25: {  	[simem:s6], [sflag:s4] =	dma.local [hbm:s3], $0xF7A  }
0x26: {  	[smem:$0x3F9B] =	sst s1;
	(tag) =	ssettag s2;
	_ =	strace s9  }
0x27: {  	s1 =	sld [smem:$0x3FAB]  }
0x28: {  	s2 =	sld [smem:$0x3FAC]  }
0x29: {  	s4 =	sld [smem:$0x3FAE]  }
0x2a: {  	p0 =	seq.s32 s5, $0x0;
	s5 =	sld [smem:$0x3FAF]  }
0x2b: {  	s6 =	sld [smem:$0x3FB0]  }
0x2c: {  	s7 =	sld [smem:$0x3FB1]  }
0x2d: {  	s3 =	simm.s32 $0x108;
	s8 =	sld [smem:$0x3FB2]  }
0x2e: {  	s3 =	simm.s32 @!p0 $0x1082;
	s9 =	sld [smem:$0x3FB3]  }
0x2f: {  	lr =	sadd.s32 s0, s3;
	s0 =	sld [smem:$0x3FAA]  }
0x30: {  	s3 =	sld [smem:$0x3FAD]  }
0x31: {  	[smem:$0x3FB6] =	sst s10  }
0x32: {  	s10 =	sld [smem:$0x3FB4];
	_ =	sdelay $0x3  }
0x33: {  	p0 =	seq.s32 s10, $0x1;
	s10 =	sld [smem:$0x3FB6];
	_ =	sdelay $0x3  }
0x34: {  	[smem:$0x3FB6] =	sst s10  }
0x35: {  	s10 =	sld [smem:$0x3FB5];
	_ =	sdelay $0x3  }
0x36: {  	p1 =	seq.s32 s10, $0x1;
	s10 =	sld [smem:$0x3FB6];
	_ =	sdelay $0x3  }
0x37: {  	[smem:$0x3FB6] =	sst s10  }
0x38: {  	s10 =	sld [smem:$0x3FB7]  }
0x39: {  	_ = 	snop;
	(pc) =	sbr.ind lr, $3  }
0x3a: {  	_ = 	snop  }
0x3b: {  	_ = 	snop  }
0x3c: {  	p2 =	seq.s32 s10, $0x1;
	s10 =	sld [smem:$0x3FB6]  }
0x3d: {  	_ =	shalt  }
0x3e: {  	_ =	shalt  }
0x3f: {  	_ =	shalt  }
0x40: {  	_ =	shalt  }
0x41: {  	_ =	shalt  }
0x42: {  	_ =	shalt  }
0x43: {  	_ =	shalt  }
0x44: {  	_ =	shalt  }
0x45: {  	_ =	shalt  }
0x46: {  	_ =	shalt  }
0x47: {  	_ =	shalt  }
0x48: {  	_ =	shalt  }
0x49: {  	_ =	shalt  }
0x4a: {  	_ =	shalt  }
0x4b: {  	_ =	shalt  }
0x4c: {  	_ =	shalt  }
0x4d: {  	_ =	shalt  }
0x4e: {  	_ =	shalt  }
0x4f: {  	_ =	shalt  }
0x50: {  	_ =	shalt  }
0x51: {  	_ =	shalt  }
0x52: {  	_ =	shalt  }
0x53: {  	_ =	shalt  }
0x54: {  	_ =	shalt  }
0x55: {  	_ =	shalt  }
0x56: {  	_ =	shalt  }
0x57: {  	_ =	shalt  }
0x58: {  	_ =	shalt  }
0x59: {  	_ =	shalt  }
0x5a: {  	_ =	shalt  }
0x5b: {  	_ =	shalt  }
0x5c: {  	_ =	shalt  }
0x5d: {  	_ =	shalt  }
0x5e: {  	_ =	shalt  }
0x5f: {  	_ =	shalt  }
0x60: {  	_ =	shalt  }
0x61: {  	_ =	shalt  }
0x62: {  	_ =	shalt  }
0x63: {  	_ =	shalt  }
0x64: {  	_ =	shalt  }
0x65: {  	_ =	shalt  }
0x66: {  	_ =	shalt  }
0x67: {  	_ =	shalt  }
0x68: {  	_ =	shalt  }
0x69: {  	_ =	shalt  }
0x6a: {  	_ =	shalt  }
0x6b: {  	_ =	shalt  }
0x6c: {  	_ =	shalt  }
0x6d: {  	_ =	shalt  }
0x6e: {  	_ =	shalt  }
0x6f: {  	_ =	shalt  }
0x70: {  	_ =	shalt  }
0x71: {  	_ =	shalt  }
0x72: {  	_ =	shalt  }
0x73: {  	_ =	shalt  }
0x74: {  	_ =	shalt  }
0x75: {  	_ =	shalt  }
0x76: {  	_ =	shalt  }
0x77: {  	_ =	shalt  }
0x78: {  	_ =	shalt  }
0x79: {  	_ =	shalt  }
0x7a: {  	_ =	shalt  }
0x7b: {  	_ =	shalt  }
0x7c: {  	_ =	shalt  }
0x7d: {  	_ =	shalt  }
0x7e: {  	_ =	shalt  }
0x7f: {  	_ =	shalt  }
0x80: {  	_ =	shalt  }
0x81: {  	_ =	shalt  }
0x82: {  	_ =	shalt  }
0x83: {  	_ =	shalt  }
0x84: {  	_ =	shalt  }
0x85: {  	_ =	shalt  }
0x86: {  	_ =	shalt  }
0x87: {  	_ =	shalt  }
.Lfunc_end0:
.L_simem_size_0:
called_computation.1_lowered:
.L_overlay_start_0:
0x88: {  	s2 =	sld [smem:$0x3FD9]  }
0x89: {  	s3 =	sld [smem:$0x3FFE];
	_ =	sdelay $0x1  }
0x8a: {  	s1 =	srdreg.scid  }
0x8b: {  	s0 =	sand.u32 $0x1, s1  }
0x8c: {  	s17 =	sshll.u32 s0, $0xA;
	s2 =	sadd.s32 s3, s2  }
0x8d: {  	s2 =	sadd.s32 s2, s17  }
0x8e: {  	[smem:$0x3FC2] =	sst s2  }
0x8f: {  	_ = 	snop  }
0x90: {  	s2 =	sld [smem:$0x3FC9];
	(tm) =	ssettm $0x1  }
0x91: {  	s18 =	sld [smem:$0x3FFB];
	_ =	sdelay $0x3  }
0x92: {  	_ =	strace s18  }
0x93: {  	s3 =	sld [smem:$0x3FFC];
	_ =	sdelay $0x3  }
0x94: {  	_ =	strace s3  }
0x95: {  	s3 =	sld [smem:$0x3FFD];
	_ =	sdelay $0x3  }
0x96: {  	_ =	strace s3  }
0x97: {  	_ =	strace $0x8FFFFFFF  }
0x98: {  	s19 =	sld [smem:$0x3FDB];
	_ =	sdelay $0x1  }
0x99: {  	s4 =	simm.s32 $_scs_section_size  }
0x9a: {  	s5 =	simm.s32 $_size__tile_overlayer_lowered;
	s6 =	simm.s32 $_tile_overlayer_lowered  }
0x9b: {  	s22 =	simm.s32 $0x1BFF;
	s21 =	sshll.u32 s6, $0x1;
	s3 =	sadd.s32 s4, s19  }
0x9c: {  	s7 =	simm.s32 $0x0;
	s20 =	sshll.u32 s5, $0x1;
	s5 =	sadd.s32 s21, s3  }
0x9d: {  	[timem:s7], [sflag:s22] =	dma.local [hbm:s5], s20  }
0x9e: {  	_ =	swait.ge [sflag:s22], s20  }
0x9f: {  	s4 =	ssub.s32 $0x0, s20;
	[sflag:s22] =	ssyncset.done $0x0  }
0xa0: {  	[sflag:s22] =	ssyncadd.s32 s4;
	_ =	sdelay $0x1  }
0xa1: {  	s23 =	simm.s32 $0x1B8B  }
0xa2: {  	_ =	swait.ge [sflag:s23], $0x1  }
0xa3: {  	[sflag:s23] =	ssyncset.done $0x0  }
0xa4: {  	s25 =	simm.s32 $0x1B8E;
	s24 =	sld [smem:$0x3FFE];
	[sflag:s23] =	ssyncadd.s32 $0xFFFFFFFF  }
0xa5: {  	s26 =	simm.s32 $execute0_lowered;
	[smem:$0x3FD2] =	sst s25  }
0xa6: {  	s5 =	sshll.u32 s26, $0x1;
	_ =	strace $0x80000046;
	[dreg:$0x1] =	wrdreg $0xFFFFFFFF  }
0xa7: {  	s28 =	simm.s32 $_size_execute0_lowered;
	s3 =	sadd.s32 s3, s5;
	[dreg:$0x0] =	wrdreg $0x0  }
0xa8: {  	s5 =	sshll.u32 s28, $0x1;
	[dreg:$0x2] =	wrdreg s3  }
0xa9: {  	[dreg:$0x3] =	wrdreg s5  }
0xaa: {  	[dreg:$0x4] =	wrdreg $0xC0  }
0xab: {  	_ =	task [dreg:s7], $0x5FFFF  }
0xac: {  	[dreg:$0x1] =	wrdreg $0xFFFFFFFF  }
0xad: {  	[dreg:$0x0] =	wrdreg $0x60  }
0xae: {  	[dreg:$0x2] =	wrdreg s2  }
0xaf: {  	[dreg:$0x3] =	wrdreg s24  }
0xb0: {  	[dreg:$0x4] =	wrdreg $0xA  }
0xb1: {  	_ =	task.clear_ibuf [dreg:s7], $0x5FFFF;
	_ =	strace $0x90000046  }
0xb2: {  	s29 =	simm.s32 $0xA;
	_ =	strace $0x80000048  }
0xb3: {  	_ =	swait.ge [sflag:s29], $0x1  }
0xb4: {  	[sflag:s29] =	ssyncadd.s32 $0xFFFFFFFF  }
0xb5: {  	_ =	strace $0x90000048  }
0xb6: {  	_ =	sfence  }
0xb7: {  	s30 =	sld [smem:$0x0];
	_ =	sdelay $0x2  }
0xb8: {  	s31 =	sshll.u32 s1, $0xD;
	s1 =	sshrl.u32 s1, $0x2  }
0xb9: {  	s3 =	sand.u32 $0x4000, s31;
	s1 =	sadd.s32 s1, s30  }
0xba: {  	s0 =	sor.u32 s3, s0;
	s1 =	sshll.u32 s1, $0x11  }
0xbb: {  	s0 =	sor.u32 s1, s0  }
0xbc: {  	s0 =	sadd.s32 $0x8F2B, s0  }
0xbd: {  	[sflag:s0] =	ssyncadd.remote.s32 $0x1  }
0xbe: {  	_ =	sfence.sel $0xFFFF  }
0xbf: {  	[dreg:$0x0] =	wrdreg $0xFFFFFFFF;
	(pc) =	sbr.abs _section_cstart, $3  }
0xc0: {  	[dreg:$0x1] =	wrdreg $0xFFFFFFFF  }
0xc1: {  	_ =	task.clear_ibuf [dreg:s7], $0x2FFFF;
	_ =	strace $0x9FFFFFFF  }
0xc2: {  	(tm) =	ssettm $0x7FFFFFFF  }
0xc3: {  	_ =	shalt  }
tec
execute0_lowered:
.L_overlay_start_1:
0x0: {  	(tag) =	ssettag $0x1  }
0x1: {  	s3 =	rddreg [dreg:$0x0]  }
0x2: {  	s4 =	rddreg [dreg:$0x1]  }
0x3: {  	s0 =	rddreg [dreg:$0x2];
	s5 =	srdreg.scid  }
0x4: {  	s2 =	simm.s32 $0x0;
	s1 =	stileid.u32;
	s6 =	sand.u32 $0x1, s5  }
0x5: {  	s30 =	sshll.u32 s1, $0xA;
	s7 =	sshll.u32 s6, $0x9;
	s6 =	ssub.s32 $0x2, s6  }
0x6: {  	[smem:$0x7FF] =	sst s2;
	s7 =	sor.u32 s7, s30;
	s31 =	sshrl.u32 s6, $0x1  }
0x7: {  	s8 =	sshll.u32 s7, $0x4;
	s7 =	sshrl.u32 s7, $0x3;
	s6 =	ssub.s32 s6, s31  }
0x8: {  	_ =	strace $0x80000047;
	s14 =	sadd.s32 s3, s7;
	s15 =	smax.u32 s6, $0x1  }
0x9: {  	[tilespmem:s2], [sflag:$0x2] =	stream.linear.gather [hbm4b:s14+s2], $0x200, $0x38;
	[tilespmem:$0x10200] =	vst v63  }
0xa: {  	s9 =	simm.s32 $0x4200;
	s3 =	simm.s32 $0x2;
	p0 =	sne.s32 s15, $0x1  }
.Ltmp0:
0xb: {  	s10 =	simm.s32 $0x100;
	_ =	swait.ge [sflag:s3], $0x200;
	(pc) =	sbr.rel @!p0 .LBB2_2-.Ltmp0, $4  }
0xc: {  	s11 =	simm.s32 $0x8200;
	s12 =	simm.s32 $0x180;
	[sflag:s3] =	ssyncset.done $0x0  }
0xd: {  	s13 =	simm.s32 $0xC200;
	s5 =	sadd.s32 $0x1600, s4;
	[sflag:s3] =	ssyncadd.s32 $0xFFFFFE00  }
0xe: {  	s4 =	sadd.s32 s8, s4;
	s8 =	simm.s32 $0x80;
	s6 =	simm.s32 $0x200;
	v0 =	vld [tilespmem:$0x1C0]  }
0xf: {  	s7 =	simm.s32 $0x1;
	s4 =	sadd.s32 $0x401600, s4;
	s15 =	sadd.s32 $0xFFFFFFFF, s15;
	v1 =	vld [tilespmem:$0x1D0]  }
.LBB2_1:
0x10: {  	p0 =	sne.s32 s15, $0x1;
	s15 =	sadd.s32 $0xFFFFFFFF, s15;
	v2 =	vld [tilespmem:$0x1E0]  }
0x11: {  	v3 =	vld [tilespmem:$0x20]  }
0x12: {  	v4 =	vld [tilespmem:$0x0]  }
0x13: {  	v5 =	vld [tilespmem:$0x130]  }
0x14: {  	v6 =	vld [tilespmem:$0x80]  }
0x15: {  	v1 =	vand.u32 $0x3FFFF, v1;
	v2 =	vand.u32 $0x3FFFF, v2;
	v7 =	vld [tilespmem:$0x1F0]  }
0x16: {  	v0 =	vand.u32 $0x3FFFF, v0;
	v3 =	vand.u32 $0x3FFFF, v3;
	v8 =	vld [tilespmem:$0x1B0];
	[tilespmem:$0x1E0] =	vst v2  }
0x17: {  	v2 =	vand.u32 $0x3FFFF, v4;
	[tilespmem:$0x20] =	vst v3;
	v3 =	vld [tilespmem:$0x170]  }
0x18: {  	v4 =	vand.u32 $0x3FFFF, v5;
	v5 =	vld [tilespmem:$0x190];
	[tilespmem:$0x1D0] =	vst v1  }
0x19: {  	v1 =	vld [tilespmem:$0x40];
	[tilespmem:$0x1C0] =	vst v0  }
0x1a: {  	v0 =	vld [tilespmem:$0x50];
	[tilespmem:$0x130] =	vst v4;
	v4 =	vand.u32 $0x3FFFF, v7  }
0x1b: {  	v7 =	vld [tilespmem:$0x60];
	v8 =	vand.u32 $0x3FFFF, v8;
	[tilespmem:$0x1F0] =	vst v4  }
0x1c: {  	v4 =	vld [tilespmem:$0x70];
	v3 =	vand.u32 $0x3FFFF, v3;
	[tilespmem:$0x1B0] =	vst v8  }
0x1d: {  	v8 =	vld [tilespmem:$0x160];
	[tilespmem:$0x170] =	vst v3;
	v3 =	vand.u32 $0x3FFFF, v5  }
0x1e: {  	v1 =	vand.u32 $0x3FFFF, v1;
	v5 =	vld [tilespmem:$0x90];
	[tilespmem:$0x190] =	vst v3  }
0x1f: {  	[tilespmem:$0x40] =	vst v1;
	v0 =	vand.u32 $0x3FFFF, v0;
	v1 =	vld [tilespmem:$0x180]  }
0x20: {  	[tilespmem:$0x50] =	vst v0;
	v0 =	vand.u32 $0x3FFFF, v7;
	v3 =	vld [tilespmem:$0xA0]  }
0x21: {  	[tilespmem:$0x60] =	vst v0;
	v0 =	vand.u32 $0x3FFFF, v4;
	v4 =	vld [tilespmem:$0x150]  }
0x22: {  	v7 =	vld [tilespmem:$0x30];
	[tilespmem:$0x70] =	vst v0;
	v0 =	vand.u32 $0x3FFFF, v6;
	v6 =	vand.u32 $0x3FFFF, v8  }
0x23: {  	v8 =	vld [tilespmem:$0x140];
	[tilespmem:$0x160] =	vst v6  }
0x24: {  	[tilespmem:$0x80] =	vst v0;
	v0 =	vand.u32 $0x3FFFF, v5;
	v5 =	vld [tilespmem:$0xC0];
	v1 =	vand.u32 $0x3FFFF, v1  }
0x25: {  	v3 =	vand.u32 $0x3FFFF, v3;
	v6 =	vld [tilespmem:$0xB0];
	[tilespmem:$0x180] =	vst v1  }
0x26: {  	[tilespmem:$0xA0] =	vst v3;
	v1 =	vld [tilespmem:$0xD0];
	v3 =	vand.u32 $0x3FFFF, v4  }
0x27: {  	v4 =	vld [tilespmem:$0x120];
	[tilespmem:$0x150] =	vst v3  }
0x28: {  	v3 =	vand.u32 $0x3FFFF, v7;
	[tilespmem:$0x90] =	vst v0;
	v0 =	vld [tilespmem:$0xE0];
	v7 =	vand.u32 $0x3FFFF, v8  }
0x29: {  	v5 =	vand.u32 $0x3FFFF, v5;
	v8 =	vld [tilespmem:$0x110];
	[tilespmem:$0x140] =	vst v7  }
0x2a: {  	v7 =	vld [tilespmem:$0x10];
	v6 =	vand.u32 $0x3FFFF, v6;
	[tilespmem:$0xC0] =	vst v5  }
0x2b: {  	[tilespmem:$0xB0] =	vst v6;
	v5 =	vld [tilespmem:$0x100]  }
0x2c: {  	v1 =	vand.u32 $0x3FFFF, v1;
	[tilespmem:$0x30] =	vst v3;
	v3 =	vand.u32 $0x3FFFF, v4  }
0x2d: {  	v0 =	vand.u32 $0x3FFFF, v0;
	[tilespmem:$0x120] =	vst v3  }
0x2e: {  	[tilespmem:$0xE0] =	vst v0;
	v0 =	vand.u32 $0x3FFFF, v8;
	v3 =	vld [tilespmem:$0x1A0]  }
0x2f: {  	v4 =	vld [tilespmem:$0xF0];
	[tilespmem:$0x110] =	vst v0  }
0x30: {  	v0 =	vand.u32 $0x3FFFF, v7;
	[tilespmem:$0xD0] =	vst v1;
	v1 =	vand.u32 $0x3FFFF, v5  }
0x31: {  	[tilespmem:$0x100] =	vst v1  }
0x32: {  	[tilespmem:$0x10] =	vst v0  }
0x33: {  	[tilespmem:$0x0] =	vst v2;
	v0 =	vand.u32 $0x3FFFF, v3  }
0x34: {  	v1 =	vand.u32 $0x3FFFF, v4;
	[tilespmem:$0x1A0] =	vst v0  }
0x35: {  	[tilespmem:$0xF0] =	vst v1  }
0x36: {  	[tilespmem:s6], [sflag:$0x1] =	stream.indirect.gather [hbm4b:s5+s8], $0x80, s2, s8, $0xb8;
	[tilespmem:$0x10200] =	vst v63  }
0x37: {  	_ = 	snop  }
0x38: {  	[tilespmem:s9], [sflag:$0x1] =	stream.indirect.gather [hbm4b:s5+s8], $0x80, s8, s8, $0xb8;
	[tilespmem:$0x10200] =	vst v63  }
0x39: {  	_ = 	snop  }
0x3a: {  	[tilespmem:s11], [sflag:$0x1] =	stream.indirect.gather [hbm4b:s5+s8], $0x80, s10, s8, $0xb8;
	[tilespmem:$0x10200] =	vst v63  }
0x3b: {  	_ = 	snop  }
0x3c: {  	[tilespmem:s13], [sflag:$0x1] =	stream.indirect.gather [hbm4b:s5+s8], $0x80, s12, s8, $0xb8;
	[tilespmem:$0x10200] =	vst v63  }
0x3d: {  	_ =	swait.ge [sflag:s7], $0x4000  }
0x3e: {  	[sflag:s7] =	ssyncset.done $0x0  }
0x3f: {  	[sflag:s7] =	ssyncadd.s32 $0xFFFFC000  }
0x40: {  	_ =	swait.ge [sflag:s7], $0x4000  }
0x41: {  	[sflag:s7] =	ssyncset.done $0x0  }
0x42: {  	[sflag:s7] =	ssyncadd.s32 $0xFFFFC000  }
0x43: {  	_ =	swait.ge [sflag:s7], $0x4000  }
0x44: {  	[sflag:s7] =	ssyncset.done $0x0  }
0x45: {  	[sflag:s7] =	ssyncadd.s32 $0xFFFFC000  }
0x46: {  	_ =	swait.ge [sflag:s7], $0x4000  }
0x47: {  	[sflag:s7] =	ssyncset.done $0x0  }
0x48: {  	[sflag:s7] =	ssyncadd.s32 $0xFFFFC000  }
0x49: {  	[hbm4b:s4+s2] =	stream.linear.scatter [tilespmem:s6], [sflag:$0x2], $0x10000, $0x38;
	[tilespmem:$0x10200] =	vst v63  }
0x4a: {  	_ =	swait.ge [sflag:s3], $0x10000  }
0x4b: {  	[sflag:s3] =	ssyncset.done $0x0  }
0x4c: {  	[sflag:s3] =	ssyncadd.s32 $0xFFFF0000  }
0x4d: {  	[tilespmem:s2], [sflag:$0x2] =	stream.linear.gather [hbm4b:s14+s2], $0x200, $0x38;
	[tilespmem:$0x10200] =	vst v63  }
.Ltmp1:
0x4e: {  	_ =	swait.ge [sflag:s3], $0x200;
	(pc) =	sbr.rel @p0 .LBB2_1-.Ltmp1, $4  }
0x4f: {  	[sflag:s3] =	ssyncset.done $0x0  }
0x50: {  	[sflag:s3] =	ssyncadd.s32 $0xFFFFFE00  }
0x51: {  	v0 =	vld [tilespmem:$0x1C0]  }
0x52: {  	v1 =	vld [tilespmem:$0x1D0]  }
.LBB2_2:
0x53: {  	v2 =	vld [tilespmem:$0x1E0]  }
0x54: {  	v3 =	vld [tilespmem:$0x20]  }
0x55: {  	v4 =	vld [tilespmem:$0x130]  }
0x56: {  	v5 =	vld [tilespmem:$0x1F0];
	v0 =	vand.u32 $0x3FFFF, v0  }
0x57: {  	v6 =	vld [tilespmem:$0x1B0];
	v1 =	vand.u32 $0x3FFFF, v1;
	[tilespmem:$0x1C0] =	vst v0  }
0x58: {  	v23 =	vld [tilespmem:$0x190];
	v2 =	vand.u32 $0x3FFFF, v2;
	[tilespmem:$0x1D0] =	vst v1  }
0x59: {  	v25 =	vld [tilespmem:$0x40];
	v3 =	vand.u32 $0x3FFFF, v3;
	[tilespmem:$0x1E0] =	vst v2  }
0x5a: {  	v26 =	vld [tilespmem:$0x50];
	v24 =	vand.u32 $0x3FFFF, v4;
	[tilespmem:$0x20] =	vst v3  }
0x5b: {  	v28 =	vld [tilespmem:$0x60];
	v27 =	vand.u32 $0x3FFFF, v5;
	[tilespmem:$0x130] =	vst v24  }
0x5c: {  	v29 =	vld [tilespmem:$0x70];
	v6 =	vand.u32 $0x3FFFF, v6;
	[tilespmem:$0x1F0] =	vst v27  }
0x5d: {  	v30 =	vld [tilespmem:$0x160];
	v31 =	vand.u32 $0x3FFFF, v23;
	[tilespmem:$0x1B0] =	vst v6  }
0x5e: {  	v35 =	vld [tilespmem:$0xA0];
	v4 =	vand.u32 $0x3FFFF, v25;
	[tilespmem:$0x190] =	vst v31  }
0x5f: {  	v37 =	vld [tilespmem:$0x150];
	v0 =	vand.u32 $0x3FFFF, v26;
	[tilespmem:$0x40] =	vst v4  }
0x60: {  	v38 =	vld [tilespmem:$0x90];
	v34 =	vand.u32 $0x3FFFF, v28;
	[tilespmem:$0x50] =	vst v0  }
0x61: {  	v40 =	vld [tilespmem:$0x140];
	v36 =	vand.u32 $0x3FFFF, v29;
	[tilespmem:$0x60] =	vst v34  }
0x62: {  	v44 =	vld [tilespmem:$0x30];
	v39 =	vand.u32 $0x3FFFF, v30;
	[tilespmem:$0x70] =	vst v36  }
0x63: {  	v46 =	vld [tilespmem:$0x120];
	v42 =	vand.u32 $0x3FFFF, v35;
	[tilespmem:$0x160] =	vst v39  }
0x64: {  	v49 =	vld [tilespmem:$0x110];
	v1 =	vand.u32 $0x3FFFF, v37;
	[tilespmem:$0xA0] =	vst v42  }
0x65: {  	v52 =	vld [tilespmem:$0x100];
	v45 =	vand.u32 $0x3FFFF, v38;
	[tilespmem:$0x150] =	vst v1  }
0x66: {  	v53 =	vld [tilespmem:$0x10];
	v48 =	vand.u32 $0x3FFFF, v40;
	[tilespmem:$0x90] =	vst v45  }
0x67: {  	v55 =	vld [tilespmem:$0x0];
	v51 =	vand.u32 $0x3FFFF, v44;
	[tilespmem:$0x140] =	vst v48  }
0x68: {  	v57 =	vld [tilespmem:$0x1A0];
	v54 =	vand.u32 $0x3FFFF, v46;
	[tilespmem:$0x30] =	vst v51  }
0x69: {  	v58 =	vld [tilespmem:$0xF0];
	v56 =	vand.u32 $0x3FFFF, v49;
	[tilespmem:$0x120] =	vst v54  }
0x6a: {  	v22 =	vld [tilespmem:$0x170];
	v59 =	vand.u32 $0x3FFFF, v52;
	[tilespmem:$0x110] =	vst v56  }
0x6b: {  	v32 =	vld [tilespmem:$0x80];
	v60 =	vand.u32 $0x3FFFF, v53;
	[tilespmem:$0x100] =	vst v59  }
0x6c: {  	v41 =	vld [tilespmem:$0xC0];
	v61 =	vand.u32 $0x3FFFF, v55;
	[tilespmem:$0x10] =	vst v60  }
0x6d: {  	v43 =	vld [tilespmem:$0xB0];
	v62 =	vand.u32 $0x3FFFF, v57;
	[tilespmem:$0x0] =	vst v61  }
0x6e: {  	v47 =	vld [tilespmem:$0xE0];
	v63 =	vand.u32 $0x3FFFF, v58;
	[tilespmem:$0x1A0] =	vst v62  }
0x6f: {  	v33 =	vld [tilespmem:$0x180];
	v2 =	vand.u32 $0x3FFFF, v22;
	[tilespmem:$0xF0] =	vst v63  }
0x70: {  	v50 =	vld [tilespmem:$0xD0];
	v3 =	vand.u32 $0x3FFFF, v32;
	[tilespmem:$0x170] =	vst v2  }
0x71: {  	v0 =	vand.u32 $0x3FFFF, v41;
	[tilespmem:$0x80] =	vst v3  }
0x72: {  	v4 =	vand.u32 $0x3FFFF, v43;
	[tilespmem:$0xC0] =	vst v0  }
0x73: {  	v1 =	vand.u32 $0x3FFFF, v47;
	[tilespmem:$0xB0] =	vst v4  }
0x74: {  	v2 =	vand.u32 $0x3FFFF, v33;
	[tilespmem:$0xE0] =	vst v1  }
0x75: {  	v3 =	vand.u32 $0x3FFFF, v50;
	[tilespmem:$0x180] =	vst v2  }
0x76: {  	[tilespmem:$0xD0] =	vst v3  }
0x77: {  	[tilespmem:s6], [sflag:$0x1] =	stream.indirect.gather [hbm4b:s5+s8], $0x80, s2, s8, $0xb8;
	[tilespmem:$0x10200] =	vst v63  }
0x78: {  	_ = 	snop  }
0x79: {  	[tilespmem:s9], [sflag:$0x1] =	stream.indirect.gather [hbm4b:s5+s8], $0x80, s8, s8, $0xb8;
	[tilespmem:$0x10200] =	vst v63  }
0x7a: {  	_ = 	snop  }
0x7b: {  	[tilespmem:s11], [sflag:$0x1] =	stream.indirect.gather [hbm4b:s5+s8], $0x80, s10, s8, $0xb8;
	[tilespmem:$0x10200] =	vst v63  }
0x7c: {  	_ = 	snop  }
0x7d: {  	[tilespmem:s13], [sflag:$0x1] =	stream.indirect.gather [hbm4b:s5+s8], $0x80, s12, s8, $0xb8;
	[tilespmem:$0x10200] =	vst v63  }
0x7e: {  	_ =	swait.ge [sflag:s7], $0x4000  }
0x7f: {  	[sflag:s7] =	ssyncset.done $0x0  }
0x80: {  	[sflag:s7] =	ssyncadd.s32 $0xFFFFC000  }
0x81: {  	_ =	swait.ge [sflag:s7], $0x4000  }
0x82: {  	[sflag:s7] =	ssyncset.done $0x0  }
0x83: {  	[sflag:s7] =	ssyncadd.s32 $0xFFFFC000  }
0x84: {  	_ =	swait.ge [sflag:s7], $0x4000  }
0x85: {  	[sflag:s7] =	ssyncset.done $0x0  }
0x86: {  	[sflag:s7] =	ssyncadd.s32 $0xFFFFC000  }
0x87: {  	_ =	swait.ge [sflag:s7], $0x4000  }
0x88: {  	[sflag:s7] =	ssyncset.done $0x0  }
0x89: {  	[sflag:s7] =	ssyncadd.s32 $0xFFFFC000  }
0x8a: {  	[hbm4b:s4+s2] =	stream.linear.scatter [tilespmem:s6], [sflag:$0x2], $0x10000, $0x38;
	[tilespmem:$0x10200] =	vst v63  }
0x8b: {  	_ =	swait.ge [sflag:s3], $0x10000  }
0x8c: {  	[sflag:s3] =	ssyncset.done $0x0  }
0x8d: {  	[sflag:s3] =	ssyncadd.s32 $0xFFFF0000  }
0x8e: {  	_ =	sfence.sel $0x180000  }
0x8f: {  	[bflag:$0x0] =	sbarrier.arrive $0xFFFF  }
0x90: {  	p0 =	sne.s32 s1, $0x0;
	_ =	strace $0x90000047  }
0x91: {  	s0 =	sadd.s32 @!p0 $0x100000, s0;
	[bflag:$0x2] =	sbarrier.arrive $0xFFFF  }
0x92: {  	[sflag:s0] =	ssyncadd.tile.s32 @!p0 $0x1;
	_ =	shalt  }
.Lfunc_end2:
_tile_overlayer_lowered:
.L_overlay_start_2:
0x93: {  	(tag) =	ssettag $0x2  }
0x94: {  	s0 =	rddreg [dreg:$0x0];
	s2 =	stileid.u32  }
0x95: {  	s1 =	rddreg [dreg:$0x1];
	p0 =	sne.s32 s2, $0x0  }
0x96: {  	s3 =	rddreg [dreg:$0x2];
	[bflag:$0x3] =	sbarrier.arrive $0xFFFF;
	s2 =	simm.s32 @!p0 $0x1C02  }
0x97: {  	[timem:s3], [sflag:s2] =	dma.local @!p0 [hbm:s0], s1  }
0x98: {  	s0 =	simm.s32 @!p0 $0x2  }
0x99: {  	_ =	swait.ge @!p0 [sflag:s0], s1  }
0x9a: {  	s1 =	ssub.s32 @!p0 $0x0, s1;
	[sflag:s0] =	ssyncset.done @!p0 $0x0  }
0x9b: {  	[sflag:s0] =	ssyncadd.s32 @!p0 s1  }
0x9c: {  	[bflag:$0x3] =	sbarrier.arrive $0xFFFF  }
0x9d: {  	_ =	shalt  }

// kernel: kernel.7.cloned.1.call-start
scs
__scs_entry_jumppad:
0x0: {  	(pc) =	sbr.rel $0x88, $3  }
0x1: {  	(tag) =	ssettag $0x0;
	lr =	simm.s32 $0x1  }
0x2: {  	[smem:$0x3F9B] =	sst lr;
	_ =	strace $0xD0000000  }
0x3: {  	_ = 	snop  }
0x4: {  	_ = 	snop  }
0x5: {  	_ = 	snop  }
0x6: {  	_ = 	snop  }
0x7: {  	_ = 	snop  }
__scs_overlays_trampoline_lowered:
0x8: {  	[smem:$0x3FAA] =	sst s0  }
0x9: {  	[smem:$0x3FAB] =	sst s1  }
0xa: {  	[smem:$0x3FAC] =	sst s2  }
0xb: {  	[smem:$0x3FAD] =	sst s3  }
0xc: {  	[smem:$0x3FAE] =	sst s4  }
0xd: {  	[smem:$0x3FAF] =	sst s5  }
0xe: {  	[smem:$0x3FB0] =	sst s6  }
0xf: {  	[smem:$0x3FB1] =	sst s7  }
0x10: {  	[smem:$0x3FB2] =	sst s8  }
0x11: {  	[smem:$0x3FB3] =	sst s9;
	s0 =	simm.s32 @!p0 $0x0  }
0x12: {  	s1 =	sld [smem:$0x3F99];
	s0 =	simm.s32 @p0 $0x1  }
0x13: {  	[smem:$0x3FB4] =	sst s0;
	s0 =	simm.s32 @!p1 $0x0  }
0x14: {  	s2 =	sld [smem:$0x3F98];
	s0 =	simm.s32 @p1 $0x1  }
0x15: {  	[smem:$0x3FB5] =	sst s0;
	s0 =	simm.s32 @!p2 $0x0  }
0x16: {  	s3 =	sld [smem:$0x3FDB];
	s0 =	simm.s32 @p2 $0x1  }
0x17: {  	s4 =	simm.s32 $0x1BF5;
	[smem:$0x3FB7] =	sst s0  }
0x18: {  	s0 =	sld [smem:$0x3F9A];
	_ =	swait.ge [sflag:s4], $0x0  }
0x19: {  	s7 =	sld [smem:$0x3F9B]  }
0x1a: {  	s8 =	sadd.s32 $0xFFFFE003, lr  }
0x1b: {  	s9 =	sadd.s32 $0xFFFFFEF7, lr;
	s5 =	simm.s32 $0xFFFFFFFF;
	p2 =	slt.u32 s8, $0xFFFFF086  }
0x1c: {  	p1 =	slt.u32 s9, $0xF7A;
	s5 =	simm.s32 @!p2 $0x0  }
0x1d: {  	s5 =	simm.s32 @p1 $0x1;
	p0 =	seq.s32 s7, s2  }
0x1e: {  	s7 =	smul.u32 @!p0 $0xF7A, s2;
	p2 =	seq.s32 @!p0 s5, $0x0  }
0x1f: {  	s9 =	smul.u32 $0xF7A, s1;
	s8 =	simm.s32 @!p0 $0x1BF5;
	p2 =	por !p2, p0  }
0x20: {  	[sflag:s8] =	ssyncset.s32 @!p0 $0xFFFFF086;
	s6 =	sadd.s32 @!p0 s3, s7;
	s7 =	simm.s32 @!p0 $0x108  }
0x21: {  	s3 =	sadd.s32 s3, s9;
	s6 =	sadd.s32 @!p0 $0x88, s6;
	s7 =	simm.s32 @p2 $0x1082  }
0x22: {  	[simem:s7], [sflag:s8] =	dma.local @!p0 [hbm:s6], $0xF7A  }
0x23: {  	s9 =	sor.u32 $0xD0000000, s2;
	s6 =	simm.s32 $0x108;
	_ =	swait.ge @!p0 [sflag:s8], $0x0  }
0x24: {  	s3 =	sadd.s32 $0x88, s3;
	s6 =	simm.s32 @!p1 $0x1082;
	[sflag:s4] =	ssyncset.s32 $0xFFFFF086  }
0x25: {  	[simem:s6], [sflag:s4] =	dma.local [hbm:s3], $0xF7A  }
0x26: {  	[smem:$0x3F9B] =	sst s1;
	(tag) =	ssettag s2;
	_ =	strace s9  }
0x27: {  	s1 =	sld [smem:$0x3FAB]  }
0x28: {  	s2 =	sld [smem:$0x3FAC]  }
0x29: {  	s4 =	sld [smem:$0x3FAE]  }
0x2a: {  	p0 =	seq.s32 s5, $0x0;
	s5 =	sld [smem:$0x3FAF]  }
0x2b: {  	s6 =	sld [smem:$0x3FB0]  }
0x2c: {  	s7 =	sld [smem:$0x3FB1]  }
0x2d: {  	s3 =	simm.s32 $0x108;
	s8 =	sld [smem:$0x3FB2]  }
0x2e: {  	s3 =	simm.s32 @!p0 $0x1082;
	s9 =	sld [smem:$0x3FB3]  }
0x2f: {  	lr =	sadd.s32 s0, s3;
	s0 =	sld [smem:$0x3FAA]  }
0x30: {  	s3 =	sld [smem:$0x3FAD]  }
0x31: {  	[smem:$0x3FB6] =	sst s10  }
0x32: {  	s10 =	sld [smem:$0x3FB4];
	_ =	sdelay $0x3  }
0x33: {  	p0 =	seq.s32 s10, $0x1;
	s10 =	sld [smem:$0x3FB6];
	_ =	sdelay $0x3  }
0x34: {  	[smem:$0x3FB6] =	sst s10  }
0x35: {  	s10 =	sld [smem:$0x3FB5];
	_ =	sdelay $0x3  }
0x36: {  	p1 =	seq.s32 s10, $0x1;
	s10 =	sld [smem:$0x3FB6];
	_ =	sdelay $0x3  }
0x37: {  	[smem:$0x3FB6] =	sst s10  }
0x38: {  	s10 =	sld [smem:$0x3FB7]  }
0x39: {  	_ = 	snop;
	(pc) =	sbr.ind lr, $3  }
0x3a: {  	_ = 	snop  }
0x3b: {  	_ = 	snop  }
0x3c: {  	p2 =	seq.s32 s10, $0x1;
	s10 =	sld [smem:$0x3FB6]  }
0x3d: {  	_ =	shalt  }
0x3e: {  	_ =	shalt  }
0x3f: {  	_ =	shalt  }
0x40: {  	_ =	shalt  }
0x41: {  	_ =	shalt  }
0x42: {  	_ =	shalt  }
0x43: {  	_ =	shalt  }
0x44: {  	_ =	shalt  }
0x45: {  	_ =	shalt  }
0x46: {  	_ =	shalt  }
0x47: {  	_ =	shalt  }
0x48: {  	_ =	shalt  }
0x49: {  	_ =	shalt  }
0x4a: {  	_ =	shalt  }
0x4b: {  	_ =	shalt  }
0x4c: {  	_ =	shalt  }
0x4d: {  	_ =	shalt  }
0x4e: {  	_ =	shalt  }
0x4f: {  	_ =	shalt  }
0x50: {  	_ =	shalt  }
0x51: {  	_ =	shalt  }
0x52: {  	_ =	shalt  }
0x53: {  	_ =	shalt  }
0x54: {  	_ =	shalt  }
0x55: {  	_ =	shalt  }
0x56: {  	_ =	shalt  }
0x57: {  	_ =	shalt  }
0x58: {  	_ =	shalt  }
0x59: {  	_ =	shalt  }
0x5a: {  	_ =	shalt  }
0x5b: {  	_ =	shalt  }
0x5c: {  	_ =	shalt  }
0x5d: {  	_ =	shalt  }
0x5e: {  	_ =	shalt  }
0x5f: {  	_ =	shalt  }
0x60: {  	_ =	shalt  }
0x61: {  	_ =	shalt  }
0x62: {  	_ =	shalt  }
0x63: {  	_ =	shalt  }
0x64: {  	_ =	shalt  }
0x65: {  	_ =	shalt  }
0x66: {  	_ =	shalt  }
0x67: {  	_ =	shalt  }
0x68: {  	_ =	shalt  }
0x69: {  	_ =	shalt  }
0x6a: {  	_ =	shalt  }
0x6b: {  	_ =	shalt  }
0x6c: {  	_ =	shalt  }
0x6d: {  	_ =	shalt  }
0x6e: {  	_ =	shalt  }
0x6f: {  	_ =	shalt  }
0x70: {  	_ =	shalt  }
0x71: {  	_ =	shalt  }
0x72: {  	_ =	shalt  }
0x73: {  	_ =	shalt  }
0x74: {  	_ =	shalt  }
0x75: {  	_ =	shalt  }
0x76: {  	_ =	shalt  }
0x77: {  	_ =	shalt  }
0x78: {  	_ =	shalt  }
0x79: {  	_ =	shalt  }
0x7a: {  	_ =	shalt  }
0x7b: {  	_ =	shalt  }
0x7c: {  	_ =	shalt  }
0x7d: {  	_ =	shalt  }
0x7e: {  	_ =	shalt  }
0x7f: {  	_ =	shalt  }
0x80: {  	_ =	shalt  }
0x81: {  	_ =	shalt  }
0x82: {  	_ =	shalt  }
0x83: {  	_ =	shalt  }
0x84: {  	_ =	shalt  }
0x85: {  	_ =	shalt  }
0x86: {  	_ =	shalt  }
0x87: {  	_ =	shalt  }
.Lfunc_end0:
.L_simem_size_0:
called_computation_lowered:
.L_overlay_start_0:
0x88: {  	s2 =	sld [smem:$0x3FD9]  }
0x89: {  	s3 =	sld [smem:$0x3FFE];
	_ =	sdelay $0x1  }
0x8a: {  	s1 =	srdreg.scid  }
0x8b: {  	s0 =	sand.u32 $0x1, s1  }
0x8c: {  	s17 =	sshll.u32 s0, $0xA;
	s2 =	sadd.s32 s3, s2  }
0x8d: {  	s2 =	sadd.s32 s2, s17  }
0x8e: {  	[smem:$0x3FC2] =	sst s2  }
0x8f: {  	_ = 	snop  }
0x90: {  	s18 =	sld [smem:$0x3FC8];
	(tm) =	ssettm $0x1  }
0x91: {  	s19 =	sld [smem:$0x3FFB];
	_ =	sdelay $0x3  }
0x92: {  	_ =	strace s19  }
0x93: {  	s2 =	sld [smem:$0x3FFC];
	_ =	sdelay $0x3  }
0x94: {  	_ =	strace s2  }
0x95: {  	s2 =	sld [smem:$0x3FFD];
	_ =	sdelay $0x3  }
0x96: {  	_ =	strace s2  }
0x97: {  	_ =	strace $0x8FFFFFFF  }
0x98: {  	s20 =	sld [smem:$0x3FDB];
	_ =	sdelay $0x1  }
0x99: {  	s4 =	simm.s32 $_scs_section_size  }
0x9a: {  	s5 =	simm.s32 $_size__tile_overlayer_lowered;
	s6 =	simm.s32 $_tile_overlayer_lowered  }
0x9b: {  	s7 =	simm.s32 $0x1BFF;
	s21 =	sshll.u32 s6, $0x1;
	s4 =	sadd.s32 s4, s20  }
0x9c: {  	s22 =	simm.s32 $0x0;
	s5 =	sshll.u32 s5, $0x1;
	s6 =	sadd.s32 s21, s4  }
0x9d: {  	[timem:s22], [sflag:s7] =	dma.local [hbm:s6], s5  }
0x9e: {  	_ =	swait.ge [sflag:s7], s5  }
0x9f: {  	s5 =	ssub.s32 $0x0, s5;
	[sflag:s7] =	ssyncset.done $0x0  }
0xa0: {  	[sflag:s7] =	ssyncadd.s32 s5;
	_ =	sdelay $0x1  }
0xa1: {  	s23 =	simm.s32 $0x1B8B  }
0xa2: {  	_ =	swait.ge [sflag:s23], $0x1  }
0xa3: {  	[sflag:s23] =	ssyncset.done $0x0  }
0xa4: {  	[sflag:s23] =	ssyncadd.s32 $0xFFFFFFFF  }
0xa5: {  	s5 =	sld [smem:$0x0]  }
0xa6: {  	s6 =	sand.u32 $0xFFFFFFFE, s1  }
0xa7: {  	p0 =	sne.s32 s1, s6  }
0xa8: {  	s6 =	sshll.u32 @p0 s6, $0xE  }
0xa9: {  	s6 =	sadd.s32 @p0 $0x11B8D, s6;
	s7 =	sshll.u32 @p0 s5, $0x11  }
0xaa: {  	s6 =	sor.u32 @p0 s7, s6  }
0xab: {  	[sflag:s6] =	ssyncadd.remote.s32 @p0 $0x1;
	_ =	sdelay $0x1  }
0xac: {  	s6 =	simm.s32 @p0 $0x1B8D  }
0xad: {  	_ =	swait.eq @p0 [sflag:s6], $0x1  }
0xae: {  	[sflag:s6] =	ssyncadd.s32 @p0 $0xFFFFFFFF  }
0xaf: {  	s7 =	sshll.u32 @!p0 s1, $0xE  }
0xb0: {  	s7 =	sor.u32 @!p0 $0x4000, s7;
	s6 =	simm.s32 @!p0 $0x1B8D  }
0xb1: {  	s5 =	sshll.u32 @!p0 s5, $0x11;
	s7 =	sadd.s32 @!p0 $0x11B8D, s7;
	_ =	swait.eq @!p0 [sflag:s6], $0x1  }
0xb2: {  	s5 =	sor.u32 @!p0 s5, s7;
	[sflag:s6] =	ssyncadd.s32 @!p0 $0xFFFFFFFF  }
0xb3: {  	s25 =	simm.s32 $0x1B8E;
	s24 =	sld [smem:$0x3FFE];
	[sflag:s5] =	ssyncadd.remote.s32 @!p0 $0x1  }
0xb4: {  	s26 =	simm.s32 $execute0_lowered;
	[smem:$0x3FD2] =	sst s25  }
0xb5: {  	s6 =	sshll.u32 s26, $0x1;
	_ =	strace $0x80000049;
	[dreg:$0x1] =	wrdreg $0xFFFFFFFF  }
0xb6: {  	s28 =	simm.s32 $_size_execute0_lowered;
	s4 =	sadd.s32 s4, s6;
	[dreg:$0x0] =	wrdreg $0x0  }
0xb7: {  	s6 =	sshll.u32 s28, $0x1;
	[dreg:$0x2] =	wrdreg s4  }
0xb8: {  	[dreg:$0x3] =	wrdreg s6  }
0xb9: {  	[dreg:$0x4] =	wrdreg $0xC0  }
0xba: {  	_ =	task [dreg:s22], $0x5FFFF  }
0xbb: {  	[dreg:$0x1] =	wrdreg $0xFFFFFFFF  }
0xbc: {  	[dreg:$0x0] =	wrdreg $0x60  }
0xbd: {  	[dreg:$0x2] =	wrdreg s18  }
0xbe: {  	[dreg:$0x3] =	wrdreg s24  }
0xbf: {  	[dreg:$0x4] =	wrdreg $0x9  }
0xc0: {  	_ =	task.clear_ibuf [dreg:s22], $0x5FFFF;
	_ =	strace $0x90000049  }
0xc1: {  	s29 =	simm.s32 $0x9;
	_ =	strace $0x8000004B  }
0xc2: {  	_ =	swait.ge [sflag:s29], $0x1  }
0xc3: {  	[sflag:s29] =	ssyncadd.s32 $0xFFFFFFFF  }
0xc4: {  	_ =	strace $0x9000004B  }
0xc5: {  	_ =	sfence  }
0xc6: {  	s30 =	sld [smem:$0x0];
	_ =	sdelay $0x2  }
0xc7: {  	s31 =	sshll.u32 s1, $0xD;
	s1 =	sshrl.u32 s1, $0x2  }
0xc8: {  	s4 =	sand.u32 $0x4000, s31;
	s1 =	sadd.s32 s1, s30  }
0xc9: {  	s0 =	sor.u32 s4, s0;
	s1 =	sshll.u32 s1, $0x11  }
0xca: {  	s0 =	sor.u32 s1, s0  }
0xcb: {  	s0 =	sadd.s32 $0x8F2B, s0  }
0xcc: {  	[sflag:s0] =	ssyncadd.remote.s32 $0x1  }
0xcd: {  	_ =	sfence.sel $0xFFFF  }
0xce: {  	[dreg:$0x0] =	wrdreg $0xFFFFFFFF;
	(pc) =	sbr.abs _section_cstart, $3  }
0xcf: {  	[dreg:$0x1] =	wrdreg $0xFFFFFFFF  }
0xd0: {  	_ =	task.clear_ibuf [dreg:s22], $0x2FFFF;
	_ =	strace $0x9FFFFFFF  }
0xd1: {  	(tm) =	ssettm $0x7FFFFFFF  }
tec
execute0_lowered:
.L_overlay_start_1:
0x0: {  	(tag) =	ssettag $0x1  }
0x1: {  	s3 =	rddreg [dreg:$0x0]  }
0x2: {  	s4 =	rddreg [dreg:$0x1]  }
0x3: {  	s0 =	rddreg [dreg:$0x2];
	s5 =	srdreg.scid  }
0x4: {  	s2 =	simm.s32 $0x0;
	s1 =	stileid.u32;
	s6 =	sand.u32 $0x1, s5  }
0x5: {  	s30 =	sshll.u32 s1, $0xA;
	s7 =	sshll.u32 s6, $0x9;
	s6 =	ssub.s32 $0x2, s6  }
0x6: {  	[smem:$0x7FF] =	sst s2;
	s7 =	sor.u32 s7, s30;
	s31 =	sshrl.u32 s6, $0x1  }
0x7: {  	s8 =	sshll.u32 s7, $0x4;
	s7 =	sshrl.u32 s7, $0x3;
	s6 =	ssub.s32 s6, s31  }
0x8: {  	_ =	strace $0x8000004A;
	s14 =	sadd.s32 s3, s7;
	s15 =	smax.u32 s6, $0x1  }
0x9: {  	[tilespmem:s2], [sflag:$0x2] =	stream.linear.gather [hbm4b:s14+s2], $0x200, $0x38;
	[tilespmem:$0x10200] =	vst v63  }
0xa: {  	s9 =	simm.s32 $0x4200;
	s3 =	simm.s32 $0x2;
	p0 =	sne.s32 s15, $0x1  }
.Ltmp0:
0xb: {  	s10 =	simm.s32 $0x100;
	_ =	swait.ge [sflag:s3], $0x200;
	(pc) =	sbr.rel @!p0 .LBB2_2-.Ltmp0, $4  }
0xc: {  	s11 =	simm.s32 $0x8200;
	s12 =	simm.s32 $0x180;
	[sflag:s3] =	ssyncset.done $0x0  }
0xd: {  	s13 =	simm.s32 $0xC200;
	s5 =	sadd.s32 $0x441600, s4;
	[sflag:s3] =	ssyncadd.s32 $0xFFFFFE00  }
0xe: {  	s4 =	sadd.s32 s8, s4;
	s8 =	simm.s32 $0x80;
	s6 =	simm.s32 $0x200;
	v0 =	vld [tilespmem:$0x1C0]  }
0xf: {  	s7 =	simm.s32 $0x1;
	s4 =	sadd.s32 $0x4C1600, s4;
	s15 =	sadd.s32 $0xFFFFFFFF, s15;
	v1 =	vld [tilespmem:$0x1D0]  }
.LBB2_1:
0x10: {  	p0 =	sne.s32 s15, $0x1;
	s15 =	sadd.s32 $0xFFFFFFFF, s15;
	v2 =	vld [tilespmem:$0x1E0]  }
0x11: {  	v3 =	vld [tilespmem:$0x20]  }
0x12: {  	v4 =	vld [tilespmem:$0x0]  }
0x13: {  	v5 =	vld [tilespmem:$0x130]  }
0x14: {  	v6 =	vld [tilespmem:$0x80]  }
0x15: {  	v1 =	vand.u32 $0x7FFF, v1;
	v2 =	vand.u32 $0x7FFF, v2;
	v7 =	vld [tilespmem:$0x1F0]  }
0x16: {  	v0 =	vand.u32 $0x7FFF, v0;
	v3 =	vand.u32 $0x7FFF, v3;
	v8 =	vld [tilespmem:$0x1B0];
	[tilespmem:$0x1E0] =	vst v2  }
0x17: {  	v2 =	vand.u32 $0x7FFF, v4;
	[tilespmem:$0x20] =	vst v3;
	v3 =	vld [tilespmem:$0x170]  }
0x18: {  	v4 =	vand.u32 $0x7FFF, v5;
	v5 =	vld [tilespmem:$0x190];
	[tilespmem:$0x1D0] =	vst v1  }
0x19: {  	v1 =	vld [tilespmem:$0x40];
	[tilespmem:$0x1C0] =	vst v0  }
0x1a: {  	v0 =	vld [tilespmem:$0x50];
	[tilespmem:$0x130] =	vst v4;
	v4 =	vand.u32 $0x7FFF, v7  }
0x1b: {  	v7 =	vld [tilespmem:$0x60];
	v8 =	vand.u32 $0x7FFF, v8;
	[tilespmem:$0x1F0] =	vst v4  }
0x1c: {  	v4 =	vld [tilespmem:$0x70];
	v3 =	vand.u32 $0x7FFF, v3;
	[tilespmem:$0x1B0] =	vst v8  }
0x1d: {  	v8 =	vld [tilespmem:$0x160];
	[tilespmem:$0x170] =	vst v3;
	v3 =	vand.u32 $0x7FFF, v5  }
0x1e: {  	v1 =	vand.u32 $0x7FFF, v1;
	v5 =	vld [tilespmem:$0x90];
	[tilespmem:$0x190] =	vst v3  }
0x1f: {  	[tilespmem:$0x40] =	vst v1;
	v0 =	vand.u32 $0x7FFF, v0;
	v1 =	vld [tilespmem:$0x180]  }
0x20: {  	[tilespmem:$0x50] =	vst v0;
	v0 =	vand.u32 $0x7FFF, v7;
	v3 =	vld [tilespmem:$0xA0]  }
0x21: {  	[tilespmem:$0x60] =	vst v0;
	v0 =	vand.u32 $0x7FFF, v4;
	v4 =	vld [tilespmem:$0x150]  }
0x22: {  	v7 =	vld [tilespmem:$0x30];
	[tilespmem:$0x70] =	vst v0;
	v0 =	vand.u32 $0x7FFF, v6;
	v6 =	vand.u32 $0x7FFF, v8  }
0x23: {  	v8 =	vld [tilespmem:$0x140];
	[tilespmem:$0x160] =	vst v6  }
0x24: {  	[tilespmem:$0x80] =	vst v0;
	v0 =	vand.u32 $0x7FFF, v5;
	v5 =	vld [tilespmem:$0xC0];
	v1 =	vand.u32 $0x7FFF, v1  }
0x25: {  	v3 =	vand.u32 $0x7FFF, v3;
	v6 =	vld [tilespmem:$0xB0];
	[tilespmem:$0x180] =	vst v1  }
0x26: {  	[tilespmem:$0xA0] =	vst v3;
	v1 =	vld [tilespmem:$0xD0];
	v3 =	vand.u32 $0x7FFF, v4  }
0x27: {  	v4 =	vld [tilespmem:$0x120];
	[tilespmem:$0x150] =	vst v3  }
0x28: {  	v3 =	vand.u32 $0x7FFF, v7;
	[tilespmem:$0x90] =	vst v0;
	v0 =	vld [tilespmem:$0xE0];
	v7 =	vand.u32 $0x7FFF, v8  }
0x29: {  	v5 =	vand.u32 $0x7FFF, v5;
	v8 =	vld [tilespmem:$0x110];
	[tilespmem:$0x140] =	vst v7  }
0x2a: {  	v7 =	vld [tilespmem:$0x10];
	v6 =	vand.u32 $0x7FFF, v6;
	[tilespmem:$0xC0] =	vst v5  }
0x2b: {  	[tilespmem:$0xB0] =	vst v6;
	v5 =	vld [tilespmem:$0x100]  }
0x2c: {  	v1 =	vand.u32 $0x7FFF, v1;
	[tilespmem:$0x30] =	vst v3;
	v3 =	vand.u32 $0x7FFF, v4  }
0x2d: {  	v0 =	vand.u32 $0x7FFF, v0;
	[tilespmem:$0x120] =	vst v3  }
0x2e: {  	[tilespmem:$0xE0] =	vst v0;
	v0 =	vand.u32 $0x7FFF, v8;
	v3 =	vld [tilespmem:$0x1A0]  }
0x2f: {  	v4 =	vld [tilespmem:$0xF0];
	[tilespmem:$0x110] =	vst v0  }
0x30: {  	v0 =	vand.u32 $0x7FFF, v7;
	[tilespmem:$0xD0] =	vst v1;
	v1 =	vand.u32 $0x7FFF, v5  }
0x31: {  	[tilespmem:$0x100] =	vst v1  }
0x32: {  	[tilespmem:$0x10] =	vst v0  }
0x33: {  	[tilespmem:$0x0] =	vst v2;
	v0 =	vand.u32 $0x7FFF, v3  }
0x34: {  	v1 =	vand.u32 $0x7FFF, v4;
	[tilespmem:$0x1A0] =	vst v0  }
0x35: {  	[tilespmem:$0xF0] =	vst v1  }
0x36: {  	[tilespmem:s6], [sflag:$0x1] =	stream.indirect.gather [hbm4b:s5+s8], $0x80, s2, s8, $0xb8;
	[tilespmem:$0x10200] =	vst v63  }
0x37: {  	_ = 	snop  }
0x38: {  	[tilespmem:s9], [sflag:$0x1] =	stream.indirect.gather [hbm4b:s5+s8], $0x80, s8, s8, $0xb8;
	[tilespmem:$0x10200] =	vst v63  }
0x39: {  	_ = 	snop  }
0x3a: {  	[tilespmem:s11], [sflag:$0x1] =	stream.indirect.gather [hbm4b:s5+s8], $0x80, s10, s8, $0xb8;
	[tilespmem:$0x10200] =	vst v63  }
0x3b: {  	_ = 	snop  }
0x3c: {  	[tilespmem:s13], [sflag:$0x1] =	stream.indirect.gather [hbm4b:s5+s8], $0x80, s12, s8, $0xb8;
	[tilespmem:$0x10200] =	vst v63  }
0x3d: {  	_ =	swait.ge [sflag:s7], $0x4000  }
0x3e: {  	[sflag:s7] =	ssyncset.done $0x0  }
0x3f: {  	[sflag:s7] =	ssyncadd.s32 $0xFFFFC000  }
0x40: {  	_ =	swait.ge [sflag:s7], $0x4000  }
0x41: {  	[sflag:s7] =	ssyncset.done $0x0  }
0x42: {  	[sflag:s7] =	ssyncadd.s32 $0xFFFFC000  }
0x43: {  	_ =	swait.ge [sflag:s7], $0x4000  }
0x44: {  	[sflag:s7] =	ssyncset.done $0x0  }
0x45: {  	[sflag:s7] =	ssyncadd.s32 $0xFFFFC000  }
0x46: {  	_ =	swait.ge [sflag:s7], $0x4000  }
0x47: {  	[sflag:s7] =	ssyncset.done $0x0  }
0x48: {  	[sflag:s7] =	ssyncadd.s32 $0xFFFFC000  }
0x49: {  	[hbm4b:s4+s2] =	stream.linear.scatter [tilespmem:s6], [sflag:$0x2], $0x10000, $0x38;
	[tilespmem:$0x10200] =	vst v63  }
0x4a: {  	_ =	swait.ge [sflag:s3], $0x10000  }
0x4b: {  	[sflag:s3] =	ssyncset.done $0x0  }
0x4c: {  	[sflag:s3] =	ssyncadd.s32 $0xFFFF0000  }
0x4d: {  	[tilespmem:s2], [sflag:$0x2] =	stream.linear.gather [hbm4b:s14+s2], $0x200, $0x38;
	[tilespmem:$0x10200] =	vst v63  }
.Ltmp1:
0x4e: {  	_ =	swait.ge [sflag:s3], $0x200;
	(pc) =	sbr.rel @p0 .LBB2_1-.Ltmp1, $4  }
0x4f: {  	[sflag:s3] =	ssyncset.done $0x0  }
0x50: {  	[sflag:s3] =	ssyncadd.s32 $0xFFFFFE00  }
0x51: {  	v0 =	vld [tilespmem:$0x1C0]  }
0x52: {  	v1 =	vld [tilespmem:$0x1D0]  }
.LBB2_2:
0x53: {  	v2 =	vld [tilespmem:$0x1E0]  }
0x54: {  	v3 =	vld [tilespmem:$0x20]  }
0x55: {  	v4 =	vld [tilespmem:$0x130]  }
0x56: {  	v5 =	vld [tilespmem:$0x1F0];
	v0 =	vand.u32 $0x7FFF, v0  }
0x57: {  	v6 =	vld [tilespmem:$0x1B0];
	v1 =	vand.u32 $0x7FFF, v1;
	[tilespmem:$0x1C0] =	vst v0  }
0x58: {  	v23 =	vld [tilespmem:$0x190];
	v2 =	vand.u32 $0x7FFF, v2;
	[tilespmem:$0x1D0] =	vst v1  }
0x59: {  	v25 =	vld [tilespmem:$0x40];
	v3 =	vand.u32 $0x7FFF, v3;
	[tilespmem:$0x1E0] =	vst v2  }
0x5a: {  	v26 =	vld [tilespmem:$0x50];
	v24 =	vand.u32 $0x7FFF, v4;
	[tilespmem:$0x20] =	vst v3  }
0x5b: {  	v28 =	vld [tilespmem:$0x60];
	v27 =	vand.u32 $0x7FFF, v5;
	[tilespmem:$0x130] =	vst v24  }
0x5c: {  	v29 =	vld [tilespmem:$0x70];
	v6 =	vand.u32 $0x7FFF, v6;
	[tilespmem:$0x1F0] =	vst v27  }
0x5d: {  	v30 =	vld [tilespmem:$0x160];
	v31 =	vand.u32 $0x7FFF, v23;
	[tilespmem:$0x1B0] =	vst v6  }
0x5e: {  	v35 =	vld [tilespmem:$0xA0];
	v4 =	vand.u32 $0x7FFF, v25;
	[tilespmem:$0x190] =	vst v31  }
0x5f: {  	v37 =	vld [tilespmem:$0x150];
	v0 =	vand.u32 $0x7FFF, v26;
	[tilespmem:$0x40] =	vst v4  }
0x60: {  	v38 =	vld [tilespmem:$0x90];
	v34 =	vand.u32 $0x7FFF, v28;
	[tilespmem:$0x50] =	vst v0  }
0x61: {  	v40 =	vld [tilespmem:$0x140];
	v36 =	vand.u32 $0x7FFF, v29;
	[tilespmem:$0x60] =	vst v34  }
0x62: {  	v44 =	vld [tilespmem:$0x30];
	v39 =	vand.u32 $0x7FFF, v30;
	[tilespmem:$0x70] =	vst v36  }
0x63: {  	v46 =	vld [tilespmem:$0x120];
	v42 =	vand.u32 $0x7FFF, v35;
	[tilespmem:$0x160] =	vst v39  }
0x64: {  	v49 =	vld [tilespmem:$0x110];
	v1 =	vand.u32 $0x7FFF, v37;
	[tilespmem:$0xA0] =	vst v42  }
0x65: {  	v52 =	vld [tilespmem:$0x100];
	v45 =	vand.u32 $0x7FFF, v38;
	[tilespmem:$0x150] =	vst v1  }
0x66: {  	v53 =	vld [tilespmem:$0x10];
	v48 =	vand.u32 $0x7FFF, v40;
	[tilespmem:$0x90] =	vst v45  }
0x67: {  	v55 =	vld [tilespmem:$0x0];
	v51 =	vand.u32 $0x7FFF, v44;
	[tilespmem:$0x140] =	vst v48  }
0x68: {  	v57 =	vld [tilespmem:$0x1A0];
	v54 =	vand.u32 $0x7FFF, v46;
	[tilespmem:$0x30] =	vst v51  }
0x69: {  	v58 =	vld [tilespmem:$0xF0];
	v56 =	vand.u32 $0x7FFF, v49;
	[tilespmem:$0x120] =	vst v54  }
0x6a: {  	v22 =	vld [tilespmem:$0x170];
	v59 =	vand.u32 $0x7FFF, v52;
	[tilespmem:$0x110] =	vst v56  }
0x6b: {  	v32 =	vld [tilespmem:$0x80];
	v60 =	vand.u32 $0x7FFF, v53;
	[tilespmem:$0x100] =	vst v59  }
0x6c: {  	v41 =	vld [tilespmem:$0xC0];
	v61 =	vand.u32 $0x7FFF, v55;
	[tilespmem:$0x10] =	vst v60  }
0x6d: {  	v43 =	vld [tilespmem:$0xB0];
	v62 =	vand.u32 $0x7FFF, v57;
	[tilespmem:$0x0] =	vst v61  }
0x6e: {  	v47 =	vld [tilespmem:$0xE0];
	v63 =	vand.u32 $0x7FFF, v58;
	[tilespmem:$0x1A0] =	vst v62  }
0x6f: {  	v33 =	vld [tilespmem:$0x180];
	v2 =	vand.u32 $0x7FFF, v22;
	[tilespmem:$0xF0] =	vst v63  }
0x70: {  	v50 =	vld [tilespmem:$0xD0];
	v3 =	vand.u32 $0x7FFF, v32;
	[tilespmem:$0x170] =	vst v2  }
0x71: {  	v0 =	vand.u32 $0x7FFF, v41;
	[tilespmem:$0x80] =	vst v3  }
0x72: {  	v4 =	vand.u32 $0x7FFF, v43;
	[tilespmem:$0xC0] =	vst v0  }
0x73: {  	v1 =	vand.u32 $0x7FFF, v47;
	[tilespmem:$0xB0] =	vst v4  }
0x74: {  	v2 =	vand.u32 $0x7FFF, v33;
	[tilespmem:$0xE0] =	vst v1  }
0x75: {  	v3 =	vand.u32 $0x7FFF, v50;
	[tilespmem:$0x180] =	vst v2  }
0x76: {  	[tilespmem:$0xD0] =	vst v3  }
0x77: {  	[tilespmem:s6], [sflag:$0x1] =	stream.indirect.gather [hbm4b:s5+s8], $0x80, s2, s8, $0xb8;
	[tilespmem:$0x10200] =	vst v63  }
0x78: {  	_ = 	snop  }
0x79: {  	[tilespmem:s9], [sflag:$0x1] =	stream.indirect.gather [hbm4b:s5+s8], $0x80, s8, s8, $0xb8;
	[tilespmem:$0x10200] =	vst v63  }
0x7a: {  	_ = 	snop  }
0x7b: {  	[tilespmem:s11], [sflag:$0x1] =	stream.indirect.gather [hbm4b:s5+s8], $0x80, s10, s8, $0xb8;
	[tilespmem:$0x10200] =	vst v63  }
0x7c: {  	_ = 	snop  }
0x7d: {  	[tilespmem:s13], [sflag:$0x1] =	stream.indirect.gather [hbm4b:s5+s8], $0x80, s12, s8, $0xb8;
	[tilespmem:$0x10200] =	vst v63  }
0x7e: {  	_ =	swait.ge [sflag:s7], $0x4000  }
0x7f: {  	[sflag:s7] =	ssyncset.done $0x0  }
0x80: {  	[sflag:s7] =	ssyncadd.s32 $0xFFFFC000  }
0x81: {  	_ =	swait.ge [sflag:s7], $0x4000  }
0x82: {  	[sflag:s7] =	ssyncset.done $0x0  }
0x83: {  	[sflag:s7] =	ssyncadd.s32 $0xFFFFC000  }
0x84: {  	_ =	swait.ge [sflag:s7], $0x4000  }
0x85: {  	[sflag:s7] =	ssyncset.done $0x0  }
0x86: {  	[sflag:s7] =	ssyncadd.s32 $0xFFFFC000  }
0x87: {  	_ =	swait.ge [sflag:s7], $0x4000  }
0x88: {  	[sflag:s7] =	ssyncset.done $0x0  }
0x89: {  	[sflag:s7] =	ssyncadd.s32 $0xFFFFC000  }
0x8a: {  	[hbm4b:s4+s2] =	stream.linear.scatter [tilespmem:s6], [sflag:$0x2], $0x10000, $0x38;
	[tilespmem:$0x10200] =	vst v63  }
0x8b: {  	_ =	swait.ge [sflag:s3], $0x10000  }
0x8c: {  	[sflag:s3] =	ssyncset.done $0x0  }
0x8d: {  	[sflag:s3] =	ssyncadd.s32 $0xFFFF0000  }
0x8e: {  	_ =	sfence.sel $0x180000  }
0x8f: {  	[bflag:$0x0] =	sbarrier.arrive $0xFFFF  }
0x90: {  	p0 =	sne.s32 s1, $0x0;
	_ =	strace $0x9000004A  }
0x91: {  	s0 =	sadd.s32 @!p0 $0x100000, s0;
	[bflag:$0x2] =	sbarrier.arrive $0xFFFF  }
0x92: {  	[sflag:s0] =	ssyncadd.tile.s32 @!p0 $0x1;
	_ =	shalt  }
.Lfunc_end2:
_tile_overlayer_lowered:
.L_overlay_start_2:
0x93: {  	(tag) =	ssettag $0x2  }
0x94: {  	s0 =	rddreg [dreg:$0x0];
	s2 =	stileid.u32  }
0x95: {  	s1 =	rddreg [dreg:$0x1];
	p0 =	sne.s32 s2, $0x0  }
0x96: {  	s3 =	rddreg [dreg:$0x2];
	[bflag:$0x3] =	sbarrier.arrive $0xFFFF;
	s2 =	simm.s32 @!p0 $0x1C02  }
0x97: {  	[timem:s3], [sflag:s2] =	dma.local @!p0 [hbm:s0], s1  }
0x98: {  	s0 =	simm.s32 @!p0 $0x2  }
0x99: {  	_ =	swait.ge @!p0 [sflag:s0], s1  }
0x9a: {  	s1 =	ssub.s32 @!p0 $0x0, s1;
	[sflag:s0] =	ssyncset.done @!p0 $0x0  }
0x9b: {  	[sflag:s0] =	ssyncadd.s32 @!p0 s1  }
0x9c: {  	[bflag:$0x3] =	sbarrier.arrive $0xFFFF  }
0x9d: {  	_ =	shalt  }

</sc_bundles>
